<compile_context>
chip_gen: v7x
topology: tpu7x:2x2x1
jax: 0.10.2.dev20260603
libtpu: 0.0.44.dev20260713+nightly
codegen_flags: <defaults>
</compile_context>

<pallas_src>
import functools

import jax
import jax.numpy as jnp
from jax import lax
from jax.experimental import pallas as pl
from jax.experimental.pallas import tpu as pltpu
from jax.experimental.pallas import tpu_sc as plsc

B, S, D = 64, 4096, 128
NV = D // 16
CH = 128
P_MAX = 500.0
P_MIN = 0.0


def _make_kernel():
    mesh = plsc.VectorSubcoreMesh(core_axis_name="c", subcore_axis_name="s")

    @functools.partial(
        pl.kernel,
        mesh=mesh,
        out_type=jax.ShapeDtypeStruct((B, S, D), jnp.float32),
        scratch_types=[
            pltpu.VMEM((CH, D), jnp.float32),
            pltpu.VMEM((CH + 16,), jnp.float32),
            pltpu.VMEM((B + 16,), jnp.int32),
            pltpu.VMEM((16,), jnp.float32),
        ],
    )
    def kern(x_hbm, w_hbm, solar_hbm, params_hbm, o_hbm,
             xbuf, wbuf, solbuf, pbuf):
        wid = lax.axis_index("s") * 2 + lax.axis_index("c")
        pltpu.sync_copy(solar_hbm, solbuf.at[pl.ds(0, B)])
        pltpu.sync_copy(params_hbm, pbuf)
        pv = pbuf[0:16]
        coef = pv[0]
        scale = pv[1]

        def do_batch(b):
            sol = solbuf[pl.ds(b, 16)][0]

            def solar_chunk(ci, _):
                base = wid * CH
                pltpu.sync_copy(x_hbm.at[b, pl.ds(base, CH), :], xbuf)
                pltpu.sync_copy(w_hbm.at[b, pl.ds(base, CH)],
                                wbuf.at[pl.ds(0, CH)])

                def row(r, _):
                    iota = lax.iota(jnp.int32, 16)
                    dnums = lax.GatherDimensionNumbers(
                        offset_dims=(), collapsed_slice_dims=(0,),
                        start_index_map=(0,))

                    def shuffle(v, kk):
                        return lax.gather(
                            v, (iota ^ kk)[:, None], dnums, (1,),
                            mode=lax.GatherScatterMode.PROMISE_IN_BOUNDS)

                    def vreduce(v, op):
                        for kk in (1, 2, 4, 8):
                            v = op(v, shuffle(v, kk))
                        return v

                    wv = wbuf[pl.ds(r, 16)]
                    f = coef * jnp.clip(wv[0] * scale, 0.01, 1.0)
                    a = [xbuf[r, 16 * i:16 * (i + 1)] * f for i in range(NV)]
                    vs = a[0]
                    vx = a[0]
                    vn = a[0]
                    for i in range(1, NV):
                        vs = vs + a[i]
                        vx = jnp.maximum(vx, a[i])
                        vn = jnp.minimum(vn, a[i])
                    t = vreduce(vs, jnp.add)
                    mx = vreduce(vx, jnp.maximum)
                    mn = vreduce(vn, jnp.minimum)
                    rng = jnp.maximum(mx - mn, 1.0)
                    mid = t * 0.0
                    for k in range(5):
                        y = jnp.clip(a[0] - mid, P_MIN, P_MAX)
                        for i in range(1, NV):
                            y = y + jnp.clip(a[i] - mid, P_MIN, P_MAX)
                        diff = vreduce(y, jnp.add) - t
                        s = rng * (0.5 ** (k + 1))
                        delta = jnp.where(
                            diff >= 0.1, s,
                            jnp.where(diff <= -0.1, -s, 0.0))
                        mid = mid + delta
                    for i in range(NV):
                        xbuf[r, 16 * i:16 * (i + 1)] = jnp.clip(
                            a[i] - mid, P_MIN, P_MAX)
                    return 0

                lax.fori_loop(0, CH, row, 0)
                pltpu.sync_copy(xbuf, o_hbm.at[b, pl.ds(base, CH), :])
                return 0

            def relu_chunk(ci, _):
                base = wid * CH
                pltpu.sync_copy(x_hbm.at[b, pl.ds(base, CH), :], xbuf)

                def row(r, _):
                    for i in range(NV):
                        v = xbuf[r, 16 * i:16 * (i + 1)]
                        xbuf[r, 16 * i:16 * (i + 1)] = jnp.maximum(v, 0.0)
                    return 0

                lax.fori_loop(0, CH, row, 0)
                pltpu.sync_copy(xbuf, o_hbm.at[b, pl.ds(base, CH), :])
                return 0

            lax.cond(
                sol == 1,
                lambda: solar_chunk(0, 0),
                lambda: relu_chunk(0, 0),
            )

        def batch_loop(b, _):
            do_batch(b)
            return 0

        lax.fori_loop(0, B, batch_loop, 0)

    return kern


_sc_kern = _make_kernel()


@jax.jit
def _run(x, weather_data, is_solar, params):
    return _sc_kern(x, weather_data, is_solar, params)


def kernel(x, weather_data, is_solar, unit_ids, c_prime, alpha, alpha_prime,
           ssrd_scale, A, eta):
    coef = c_prime * A * eta / (alpha + alpha_prime) * P_MAX
    params = jnp.zeros(16, jnp.float32).at[0].set(coef).at[1].set(ssrd_scale)
    return _run(x, weather_data, is_solar.reshape(B), params)

# --- scband reference (transcript-rebuilt; emitter-appended) ---
"""Pipeline reference for scband-solar-ssrdactivation-670014898789 (READ-ONLY COPY).

The authoritative reference and input builder live on the scoring server;
editing this copy changes nothing except your own understanding.
"""

import jax, jax.numpy as jnp
import numpy as np

B, S, D = 64, 4096, 128
DEFAULT_MAX = 500.0
DEFAULT_MIN = 0.0


def setup_inputs(seed: int = 0) -> dict:
    key = jax.random.key(seed)
    k1, k2, k3, k4 = jax.random.split(key, 4)
    x = jax.random.normal(k1, (B, S, D), dtype=jnp.float32)
    # rand fill; scaled to a realistic SSRD magnitude (W/m^2-ish) so ssrd_scale matters
    weather_data = jax.random.uniform(k2, (B, S), dtype=jnp.float32) * 3000.0
    is_solar = jax.random.randint(k3, (B, 1), 0, 2, dtype=jnp.int32)
    unit_ids = jax.random.randint(k4, (B,), 0, 500, dtype=jnp.int32)
    # learnable params / buffers (learnable=True branch)
    c_prime = jnp.asarray(1.0, dtype=jnp.float32)
    alpha = jnp.asarray(0.3, dtype=jnp.float32)
    alpha_prime = jnp.asarray(0.4, dtype=jnp.float32)
    ssrd_scale = jnp.asarray(0.0001, dtype=jnp.float32)
    A = jnp.asarray(10.08, dtype=jnp.float32)
    eta = jnp.asarray(0.2721, dtype=jnp.float32)
    return {"x": x, "weather_data": weather_data, "is_solar": is_solar,
            "unit_ids": unit_ids, "c_prime": c_prime, "alpha": alpha,
            "alpha_prime": alpha_prime, "ssrd_scale": ssrd_scale, "A": A, "eta": eta}


def _parallel_optimization(x, lower, upper, target_sum, max_iter=5, tol=0.1):
    max_val = x.max(axis=-1, keepdims=True)
    min_val = x.min(axis=-1, keepdims=True)
    range_val = jnp.maximum(max_val - min_val, 1.0)
    lambda_min = -range_val
    lambda_max = range_val
    lower_e = jnp.broadcast_to(lower, x.shape)
    upper_e = jnp.broadcast_to(upper, x.shape)
    # fixed max_iter iterations; converged entries are frozen by the masked
    # where-updates, which is mathematically identical to the early break
    for _ in range(max_iter):
        lambda_mid = (lambda_min + lambda_max) / 2.0
        y_new = jnp.clip(x - lambda_mid, lower_e, upper_e)
        total_new = y_new.sum(axis=-1, keepdims=True)
        diff = total_new - target_sum
        converged = jnp.abs(diff) < tol
        lambda_min = jnp.where((total_new > target_sum) & (~converged), lambda_mid, lambda_min)
        lambda_max = jnp.where((total_new <= target_sum) & (~converged), lambda_mid, lambda_max)
    return (lambda_min + lambda_max) / 2.0


def _apply_physics(x, ssrd, max_powers, min_powers, c_prime, alpha, alpha_prime, ssrd_scale, A, eta):
    ssrd_norm = jnp.clip(ssrd * ssrd_scale, 0.01, 1.0)
    activation_factor = c_prime * (A * eta * ssrd_norm) / (alpha + alpha_prime) * max_powers
    x_activated = x * activation_factor
    target_sum = x_activated.sum(axis=-1, keepdims=True)
    lambda_val = _parallel_optimization(x_activated, min_powers, max_powers, target_sum)
    lower_e = jnp.broadcast_to(min_powers, x_activated.shape)
    upper_e = jnp.broadcast_to(max_powers, x_activated.shape)
    return jnp.clip(x_activated - lambda_val, lower_e, upper_e)


def reference(x, weather_data, is_solar, unit_ids, c_prime, alpha, alpha_prime, ssrd_scale, A, eta):
    result = jax.nn.relu(x)
    solar_mask = (is_solar == 1)
    # weather seq_len matches x seq_len, so no pad/slice path taken
    ssrd = weather_data[..., None]
    n = x.shape[0]
    # unit_capacity_dict is empty -> every unit falls back to defaults
    max_powers = jnp.full((n, 1, 1), DEFAULT_MAX, dtype=jnp.float32)
    min_powers = jnp.full((n, 1, 1), DEFAULT_MIN, dtype=jnp.float32)
    solar_result = _apply_physics(x, ssrd, max_powers, min_powers,
                                  c_prime, alpha, alpha_prime, ssrd_scale, A, eta)
    new_result = jnp.where(solar_mask[:, :, None], solar_result, result)
    return new_result

if __name__ == "__main__":
    import jax
    _d = setup_inputs()
    print(jax.jit(kernel)(*tuple(_d.values())))

</pallas_src>

<mosaic_0001>
#map = affine_map<(d0, d1) -> (0, 0, 0)>
#map1 = affine_map<(d0, d1) -> (0, 0)>
#map2 = affine_map<(d0, d1) -> (0)>
module attributes {stable_mosaic.version = 14 : i64} {
  func.func @kern(%arg0: i32, %arg1: i32, %arg2: memref<64x4096x128xf32, #tpu.memory_space<hbm>>, %arg3: memref<64x4096xf32, #tpu.memory_space<hbm>>, %arg4: memref<64xi32, #tpu.memory_space<hbm>>, %arg5: memref<16xf32, #tpu.memory_space<hbm>>, %arg6: memref<64x4096x128xf32, #tpu.memory_space<hbm>>, %arg7: memref<128x128xf32, #tpu.memory_space<vmem>>, %arg8: memref<144xf32, #tpu.memory_space<vmem>>, %arg9: memref<80xi32, #tpu.memory_space<vmem>>, %arg10: memref<16xf32, #tpu.memory_space<vmem>>) attributes {dimension_semantics = [#tpu.dimension_semantics<core_parallel>, #tpu.dimension_semantics<subcore_parallel>], iteration_bounds = array<i64: 2, 16>, scalar_prefetch = 0 : i64, scratch_operands = 4 : i64, tpu.core_type = #tpu.core_type<sc_vector_subcore>, window_params = [{transform_indices = #map}, {transform_indices = #map1}, {transform_indices = #map2}, {transform_indices = #map2}, {transform_indices = #map}]} {
    %mul3A = arith.constant 2 : i32
    %mul3A_0 = arith.muli %arg1, %mul3A : i32
    %add3A = arith.addi %mul3A_0, %arg0 : i32
    "tpu.region"() ({
      %run_scoped3A = tpu.sem_alloc : memref<!tpu.dma_semaphore, #tpu.memory_space<semaphore_mem>>
      %dma_start3A = arith.constant 0 : i32
      %dma_start3A_11 = tpu.memref_slice %arg9[%dma_start3A] : memref<80xi32, #tpu.memory_space<vmem>> -> memref<64xi32, #tpu.memory_space<vmem>>
      %dma_start3A_12 = arith.constant 0 : i32
      %dma_start3A_13 = tpu.memref_slice %arg9[%dma_start3A_12] : memref<80xi32, #tpu.memory_space<vmem>> -> memref<64xi32, #tpu.memory_space<vmem>>
      tpu.enqueue_dma source(%arg4 : memref<64xi32, #tpu.memory_space<hbm>>) target(%dma_start3A_13 : memref<64xi32, #tpu.memory_space<vmem>>) target_semaphore(%run_scoped3A : memref<!tpu.dma_semaphore, #tpu.memory_space<semaphore_mem>>)
      %dma_wait3A = arith.constant 0 : i32
      %dma_wait3A_14 = tpu.memref_slice %arg9[%dma_wait3A] : memref<80xi32, #tpu.memory_space<vmem>> -> memref<64xi32, #tpu.memory_space<vmem>>
      %dma_wait3A_15 = arith.constant 0 : i32
      %dma_wait3A_16 = tpu.memref_slice %arg9[%dma_wait3A_15] : memref<80xi32, #tpu.memory_space<vmem>> -> memref<64xi32, #tpu.memory_space<vmem>>
      tpu.wait_dma2 semaphore(%run_scoped3A : memref<!tpu.dma_semaphore, #tpu.memory_space<semaphore_mem>>) src(%arg4 : memref<64xi32, #tpu.memory_space<hbm>>) dst(%dma_wait3A_16 : memref<64xi32, #tpu.memory_space<vmem>>)
      tpu.yield
    }) : () -> ()
    "tpu.region"() ({
      %run_scoped3A = tpu.sem_alloc : memref<!tpu.dma_semaphore, #tpu.memory_space<semaphore_mem>>
      tpu.enqueue_dma source(%arg5 : memref<16xf32, #tpu.memory_space<hbm>>) target(%arg10 : memref<16xf32, #tpu.memory_space<vmem>>) target_semaphore(%run_scoped3A : memref<!tpu.dma_semaphore, #tpu.memory_space<semaphore_mem>>)
      tpu.wait_dma2 semaphore(%run_scoped3A : memref<!tpu.dma_semaphore, #tpu.memory_space<semaphore_mem>>) src(%arg5 : memref<16xf32, #tpu.memory_space<hbm>>) dst(%arg10 : memref<16xf32, #tpu.memory_space<vmem>>)
      tpu.yield
    }) : () -> ()
    %get3A = arith.constant 0 : index
    %get3A_1 = tpu.vector_load %arg10[%get3A] {strides = array<i32>} : memref<16xf32, #tpu.memory_space<vmem>>, vector<16xf32>,
    %get3A_2 = vector.shape_cast %get3A_1 : vector<16xf32> to vector<16xf32>
    %slice3A = vector.extract_strided_slice %get3A_2 {offsets = [0], sizes = [1], strides = [1]} : vector<16xf32> to vector<1xf32>
    %squeeze3A = vector.extract %slice3A[0] : f32 from vector<1xf32>
    %slice3A_3 = vector.extract_strided_slice %get3A_2 {offsets = [1], sizes = [1], strides = [1]} : vector<16xf32> to vector<1xf32>
    %squeeze3A_4 = vector.extract %slice3A_3[0] : f32 from vector<1xf32>
    %scan3A = arith.constant 0 : i32
    %scan3A_5 = arith.constant 0 : i32
    %scan3A_6 = arith.constant 64 : i32
    %scan3A_7 = arith.addi %scan3A_5, %scan3A_6 : i32
    %scan3A_8 = arith.constant 1 : i32
    %scan3A_9 = scf.for %scan3A_11 = %scan3A_5 to %scan3A_7 step %scan3A_8 iter_args(%scan3A_12 = %scan3A) -> (i32)  : i32 {
      %get3A_13 = arith.index_cast %scan3A_11 : i32 to index
      %get3A_14 = tpu.vector_load %arg9[%get3A_13] {strides = array<i32>} : memref<80xi32, #tpu.memory_space<vmem>>, vector<16xi32>,
      %get3A_15 = vector.shape_cast %get3A_14 : vector<16xi32> to vector<16xi32>
      %slice3A_16 = vector.extract_strided_slice %get3A_15 {offsets = [0], sizes = [1], strides = [1]} : vector<16xi32> to vector<1xi32>
      %squeeze3A_17 = vector.extract %slice3A_16[0] : i32 from vector<1xi32>
      %eq3A = arith.constant 1 : i32
      %eq3A_18 = arith.cmpi eq, %squeeze3A_17, %eq3A : i32
      %convert_element_type3A = arith.extui %eq3A_18 : i1 to i32
      %cond3A = arith.constant 0 : i32
      %cond3A_19 = arith.cmpi ne, %convert_element_type3A, %cond3A : i32
      %cond3A_20 = scf.if %cond3A_19 -> (i32) {
        %mul3A_22 = arith.constant 128 : i32
        %mul3A_23 = arith.muli %add3A, %mul3A_22 : i32
        "tpu.region"() ({
          %run_scoped3A = tpu.sem_alloc : memref<!tpu.dma_semaphore, #tpu.memory_space<semaphore_mem>>
          %dma_start3A = arith.constant 0 : i32
          %dma_start3A_32 = tpu.memref_slice %arg2[%scan3A_11, %mul3A_23, %dma_start3A] : memref<64x4096x128xf32, #tpu.memory_space<hbm>> -> memref<1x128x128xf32, #tpu.memory_space<hbm>>
          %dma_start3A_33 = tpu.memref_squeeze %dma_start3A_32 : memref<1x128x128xf32, #tpu.memory_space<hbm>> -> memref<128x128xf32, #tpu.memory_space<hbm>>
          %dma_start3A_34 = arith.constant 0 : i32
          %dma_start3A_35 = tpu.memref_slice %arg2[%scan3A_11, %mul3A_23, %dma_start3A_34] : memref<64x4096x128xf32, #tpu.memory_space<hbm>> -> memref<1x128x128xf32, #tpu.memory_space<hbm>>
          %dma_start3A_36 = tpu.memref_squeeze %dma_start3A_35 : memref<1x128x128xf32, #tpu.memory_space<hbm>> -> memref<128x128xf32, #tpu.memory_space<hbm>>
          tpu.enqueue_dma source(%dma_start3A_36 : memref<128x128xf32, #tpu.memory_space<hbm>>) target(%arg7 : memref<128x128xf32, #tpu.memory_space<vmem>>) target_semaphore(%run_scoped3A : memref<!tpu.dma_semaphore, #tpu.memory_space<semaphore_mem>>)
          %dma_wait3A = arith.constant 0 : i32
          %dma_wait3A_37 = tpu.memref_slice %arg2[%scan3A_11, %mul3A_23, %dma_wait3A] : memref<64x4096x128xf32, #tpu.memory_space<hbm>> -> memref<1x128x128xf32, #tpu.memory_space<hbm>>
          %dma_wait3A_38 = tpu.memref_squeeze %dma_wait3A_37 : memref<1x128x128xf32, #tpu.memory_space<hbm>> -> memref<128x128xf32, #tpu.memory_space<hbm>>
          %dma_wait3A_39 = arith.constant 0 : i32
          %dma_wait3A_40 = tpu.memref_slice %arg2[%scan3A_11, %mul3A_23, %dma_wait3A_39] : memref<64x4096x128xf32, #tpu.memory_space<hbm>> -> memref<1x128x128xf32, #tpu.memory_space<hbm>>
          %dma_wait3A_41 = tpu.memref_squeeze %dma_wait3A_40 : memref<1x128x128xf32, #tpu.memory_space<hbm>> -> memref<128x128xf32, #tpu.memory_space<hbm>>
          tpu.wait_dma2 semaphore(%run_scoped3A : memref<!tpu.dma_semaphore, #tpu.memory_space<semaphore_mem>>) src(%dma_wait3A_41 : memref<128x128xf32, #tpu.memory_space<hbm>>) dst(%arg7 : memref<128x128xf32, #tpu.memory_space<vmem>>)
          tpu.yield
        }) : () -> ()
        "tpu.region"() ({
          %run_scoped3A = tpu.sem_alloc : memref<!tpu.dma_semaphore, #tpu.memory_space<semaphore_mem>>
          %dma_start3A = arith.constant 0 : i32
          %dma_start3A_32 = tpu.memref_slice %arg8[%dma_start3A] : memref<144xf32, #tpu.memory_space<vmem>> -> memref<128xf32, #tpu.memory_space<vmem>>
          %dma_start3A_33 = tpu.memref_slice %arg3[%scan3A_11, %mul3A_23] : memref<64x4096xf32, #tpu.memory_space<hbm>> -> memref<1x128xf32, #tpu.memory_space<hbm>>
          %dma_start3A_34 = tpu.memref_squeeze %dma_start3A_33 : memref<1x128xf32, #tpu.memory_space<hbm>> -> memref<128xf32, #tpu.memory_space<hbm>>
          %dma_start3A_35 = arith.constant 0 : i32
          %dma_start3A_36 = tpu.memref_slice %arg8[%dma_start3A_35] : memref<144xf32, #tpu.memory_space<vmem>> -> memref<128xf32, #tpu.memory_space<vmem>>
          %dma_start3A_37 = tpu.memref_slice %arg3[%scan3A_11, %mul3A_23] : memref<64x4096xf32, #tpu.memory_space<hbm>> -> memref<1x128xf32, #tpu.memory_space<hbm>>
          %dma_start3A_38 = tpu.memref_squeeze %dma_start3A_37 : memref<1x128xf32, #tpu.memory_space<hbm>> -> memref<128xf32, #tpu.memory_space<hbm>>
          tpu.enqueue_dma source(%dma_start3A_38 : memref<128xf32, #tpu.memory_space<hbm>>) target(%dma_start3A_36 : memref<128xf32, #tpu.memory_space<vmem>>) target_semaphore(%run_scoped3A : memref<!tpu.dma_semaphore, #tpu.memory_space<semaphore_mem>>)
          %dma_wait3A = arith.constant 0 : i32
          %dma_wait3A_39 = tpu.memref_slice %arg8[%dma_wait3A] : memref<144xf32, #tpu.memory_space<vmem>> -> memref<128xf32, #tpu.memory_space<vmem>>
          %dma_wait3A_40 = tpu.memref_slice %arg3[%scan3A_11, %mul3A_23] : memref<64x4096xf32, #tpu.memory_space<hbm>> -> memref<1x128xf32, #tpu.memory_space<hbm>>
          %dma_wait3A_41 = tpu.memref_squeeze %dma_wait3A_40 : memref<1x128xf32, #tpu.memory_space<hbm>> -> memref<128xf32, #tpu.memory_space<hbm>>
          %dma_wait3A_42 = arith.constant 0 : i32
          %dma_wait3A_43 = tpu.memref_slice %arg8[%dma_wait3A_42] : memref<144xf32, #tpu.memory_space<vmem>> -> memref<128xf32, #tpu.memory_space<vmem>>
          %dma_wait3A_44 = tpu.memref_slice %arg3[%scan3A_11, %mul3A_23] : memref<64x4096xf32, #tpu.memory_space<hbm>> -> memref<1x128xf32, #tpu.memory_space<hbm>>
          %dma_wait3A_45 = tpu.memref_squeeze %dma_wait3A_44 : memref<1x128xf32, #tpu.memory_space<hbm>> -> memref<128xf32, #tpu.memory_space<hbm>>
          tpu.wait_dma2 semaphore(%run_scoped3A : memref<!tpu.dma_semaphore, #tpu.memory_space<semaphore_mem>>) src(%dma_wait3A_45 : memref<128xf32, #tpu.memory_space<hbm>>) dst(%dma_wait3A_43 : memref<128xf32, #tpu.memory_space<vmem>>)
          tpu.yield
        }) : () -> ()
        %scan3A_24 = arith.constant 0 : i32
        %scan3A_25 = arith.constant 0 : i32
        %scan3A_26 = arith.constant 128 : i32
        %scan3A_27 = arith.addi %scan3A_25, %scan3A_26 : i32
        %scan3A_28 = arith.constant 1 : i32
        %scan3A_29 = scf.for %scan3A_32 = %scan3A_25 to %scan3A_27 step %scan3A_28 iter_args(%scan3A_33 = %scan3A_24) -> (i32)  : i32 {
          %iota3A = tpu.iota {dimensions = array<i32: 0>} : vector<16xi32>
          %get3A_34 = arith.index_cast %scan3A_32 : i32 to index
          %get3A_35 = tpu.vector_load %arg8[%get3A_34] {strides = array<i32>} : memref<144xf32, #tpu.memory_space<vmem>>, vector<16xf32>,
          %get3A_36 = vector.shape_cast %get3A_35 : vector<16xf32> to vector<16xf32>
          %slice3A_37 = vector.extract_strided_slice %get3A_36 {offsets = [0], sizes = [1], strides = [1]} : vector<16xf32> to vector<1xf32>
          %squeeze3A_38 = vector.extract %slice3A_37[0] : f32 from vector<1xf32>
          %mul3A_39 = arith.mulf %squeeze3A_38, %squeeze3A_4 : f32
          %jit3A = arith.constant 0.00999999977 : f32
          %jit3A_40 = arith.constant 1.000000e+00 : f32
          %max3A = arith.maximumf %jit3A, %mul3A_39 : f32
          %min3A = arith.minimumf %jit3A_40, %max3A : f32
          %mul3A_41 = arith.mulf %squeeze3A, %min3A : f32
          %get3A_42 = arith.index_cast %scan3A_32 : i32 to index
          %get3A_43 = arith.constant 0 : index
          %get3A_44 = tpu.vector_load %arg7[%get3A_42, %get3A_43] {strides = array<i32>} : memref<128x128xf32, #tpu.memory_space<vmem>>, vector<1x16xf32>,
          %get3A_45 = vector.shape_cast %get3A_44 : vector<1x16xf32> to vector<16xf32>
          %mul3A_46 = vector.broadcast %mul3A_41 : f32 to vector<16xf32>
          %mul3A_47 = arith.mulf %get3A_45, %mul3A_46 : vector<16xf32>
          %get3A_48 = arith.index_cast %scan3A_32 : i32 to index
          %get3A_49 = arith.constant 16 : index
          %get3A_50 = tpu.vector_load %arg7[%get3A_48, %get3A_49] {strides = array<i32>} : memref<128x128xf32, #tpu.memory_space<vmem>>, vector<1x16xf32>,
          %get3A_51 = vector.shape_cast %get3A_50 : vector<1x16xf32> to vector<16xf32>
          %mul3A_52 = vector.broadcast %mul3A_41 : f32 to vector<16xf32>
          %mul3A_53 = arith.mulf %get3A_51, %mul3A_52 : vector<16xf32>
          %get3A_54 = arith.index_cast %scan3A_32 : i32 to index
          %get3A_55 = arith.constant 32 : index
          %get3A_56 = tpu.vector_load %arg7[%get3A_54, %get3A_55] {strides = array<i32>} : memref<128x128xf32, #tpu.memory_space<vmem>>, vector<1x16xf32>,
          %get3A_57 = vector.shape_cast %get3A_56 : vector<1x16xf32> to vector<16xf32>
          %mul3A_58 = vector.broadcast %mul3A_41 : f32 to vector<16xf32>
          %mul3A_59 = arith.mulf %get3A_57, %mul3A_58 : vector<16xf32>
          %get3A_60 = arith.index_cast %scan3A_32 : i32 to index
          %get3A_61 = arith.constant 48 : index
          %get3A_62 = tpu.vector_load %arg7[%get3A_60, %get3A_61] {strides = array<i32>} : memref<128x128xf32, #tpu.memory_space<vmem>>, vector<1x16xf32>,
          %get3A_63 = vector.shape_cast %get3A_62 : vector<1x16xf32> to vector<16xf32>
          %mul3A_64 = vector.broadcast %mul3A_41 : f32 to vector<16xf32>
          %mul3A_65 = arith.mulf %get3A_63, %mul3A_64 : vector<16xf32>
          %get3A_66 = arith.index_cast %scan3A_32 : i32 to index
          %get3A_67 = arith.constant 64 : index
          %get3A_68 = tpu.vector_load %arg7[%get3A_66, %get3A_67] {strides = array<i32>} : memref<128x128xf32, #tpu.memory_space<vmem>>, vector<1x16xf32>,
          %get3A_69 = vector.shape_cast %get3A_68 : vector<1x16xf32> to vector<16xf32>
          %mul3A_70 = vector.broadcast %mul3A_41 : f32 to vector<16xf32>
          %mul3A_71 = arith.mulf %get3A_69, %mul3A_70 : vector<16xf32>
          %get3A_72 = arith.index_cast %scan3A_32 : i32 to index
          %get3A_73 = arith.constant 80 : index
          %get3A_74 = tpu.vector_load %arg7[%get3A_72, %get3A_73] {strides = array<i32>} : memref<128x128xf32, #tpu.memory_space<vmem>>, vector<1x16xf32>,
          %get3A_75 = vector.shape_cast %get3A_74 : vector<1x16xf32> to vector<16xf32>
          %mul3A_76 = vector.broadcast %mul3A_41 : f32 to vector<16xf32>
          %mul3A_77 = arith.mulf %get3A_75, %mul3A_76 : vector<16xf32>
          %get3A_78 = arith.index_cast %scan3A_32 : i32 to index
          %get3A_79 = arith.constant 96 : index
          %get3A_80 = tpu.vector_load %arg7[%get3A_78, %get3A_79] {strides = array<i32>} : memref<128x128xf32, #tpu.memory_space<vmem>>, vector<1x16xf32>,
          %get3A_81 = vector.shape_cast %get3A_80 : vector<1x16xf32> to vector<16xf32>
          %mul3A_82 = vector.broadcast %mul3A_41 : f32 to vector<16xf32>
          %mul3A_83 = arith.mulf %get3A_81, %mul3A_82 : vector<16xf32>
          %get3A_84 = arith.index_cast %scan3A_32 : i32 to index
          %get3A_85 = arith.constant 112 : index
          %get3A_86 = tpu.vector_load %arg7[%get3A_84, %get3A_85] {strides = array<i32>} : memref<128x128xf32, #tpu.memory_space<vmem>>, vector<1x16xf32>,
          %get3A_87 = vector.shape_cast %get3A_86 : vector<1x16xf32> to vector<16xf32>
          %mul3A_88 = vector.broadcast %mul3A_41 : f32 to vector<16xf32>
          %mul3A_89 = arith.mulf %get3A_87, %mul3A_88 : vector<16xf32>
          %add3A_90 = arith.addf %mul3A_47, %mul3A_53 : vector<16xf32>
          %max3A_91 = arith.maximumf %mul3A_47, %mul3A_53 : vector<16xf32>
          %min3A_92 = arith.minimumf %mul3A_47, %mul3A_53 : vector<16xf32>
          %add3A_93 = arith.addf %add3A_90, %mul3A_59 : vector<16xf32>
          %max3A_94 = arith.maximumf %max3A_91, %mul3A_59 : vector<16xf32>
          %min3A_95 = arith.minimumf %min3A_92, %mul3A_59 : vector<16xf32>
          %add3A_96 = arith.addf %add3A_93, %mul3A_65 : vector<16xf32>
          %max3A_97 = arith.maximumf %max3A_94, %mul3A_65 : vector<16xf32>
          %min3A_98 = arith.minimumf %min3A_95, %mul3A_65 : vector<16xf32>
          %add3A_99 = arith.addf %add3A_96, %mul3A_71 : vector<16xf32>
          %max3A_100 = arith.maximumf %max3A_97, %mul3A_71 : vector<16xf32>
          %min3A_101 = arith.minimumf %min3A_98, %mul3A_71 : vector<16xf32>
          %add3A_102 = arith.addf %add3A_99, %mul3A_77 : vector<16xf32>
          %max3A_103 = arith.maximumf %max3A_100, %mul3A_77 : vector<16xf32>
          %min3A_104 = arith.minimumf %min3A_101, %mul3A_77 : vector<16xf32>
          %add3A_105 = arith.addf %add3A_102, %mul3A_83 : vector<16xf32>
          %max3A_106 = arith.maximumf %max3A_103, %mul3A_83 : vector<16xf32>
          %min3A_107 = arith.minimumf %min3A_104, %mul3A_83 : vector<16xf32>
          %add3A_108 = arith.addf %add3A_105, %mul3A_89 : vector<16xf32>
          %max3A_109 = arith.maximumf %max3A_106, %mul3A_89 : vector<16xf32>
          %min3A_110 = arith.minimumf %min3A_107, %mul3A_89 : vector<16xf32>
          %xor3A = arith.constant 1 : i32
          %xor3A_111 = vector.broadcast %xor3A : i32 to vector<16xi32>
          %xor3A_112 = arith.xori %iota3A, %xor3A_111 : vector<16xi32>
          %broadcast_in_dim3A = vector.shape_cast %xor3A_112 : vector<16xi32> to vector<16x1xi32>
          %gather3A = vector.shape_cast %broadcast_in_dim3A : vector<16x1xi32> to vector<16xi32>
          %gather3A_113 = tpu.dynamic_gather %add3A_108[%gather3A] in [0] : vector<16xf32>, vector<16xi32> -> vector<16xf32>
          %add3A_114 = arith.addf %add3A_108, %gather3A_113 : vector<16xf32>
          %xor3A_115 = arith.constant 2 : i32
          %xor3A_116 = vector.broadcast %xor3A_115 : i32 to vector<16xi32>
          %xor3A_117 = arith.xori %iota3A, %xor3A_116 : vector<16xi32>
          %broadcast_in_dim3A_118 = vector.shape_cast %xor3A_117 : vector<16xi32> to vector<16x1xi32>
          %gather3A_119 = vector.shape_cast %broadcast_in_dim3A_118 : vector<16x1xi32> to vector<16xi32>
          %gather3A_120 = tpu.dynamic_gather %add3A_114[%gather3A_119] in [0] : vector<16xf32>, vector<16xi32> -> vector<16xf32>
          %add3A_121 = arith.addf %add3A_114, %gather3A_120 : vector<16xf32>
          %xor3A_122 = arith.constant 4 : i32
          %xor3A_123 = vector.broadcast %xor3A_122 : i32 to vector<16xi32>
          %xor3A_124 = arith.xori %iota3A, %xor3A_123 : vector<16xi32>
          %broadcast_in_dim3A_125 = vector.shape_cast %xor3A_124 : vector<16xi32> to vector<16x1xi32>
          %gather3A_126 = vector.shape_cast %broadcast_in_dim3A_125 : vector<16x1xi32> to vector<16xi32>
          %gather3A_127 = tpu.dynamic_gather %add3A_121[%gather3A_126] in [0] : vector<16xf32>, vector<16xi32> -> vector<16xf32>
          %add3A_128 = arith.addf %add3A_121, %gather3A_127 : vector<16xf32>
          %xor3A_129 = arith.constant 8 : i32
          %xor3A_130 = vector.broadcast %xor3A_129 : i32 to vector<16xi32>
          %xor3A_131 = arith.xori %iota3A, %xor3A_130 : vector<16xi32>
          %broadcast_in_dim3A_132 = vector.shape_cast %xor3A_131 : vector<16xi32> to vector<16x1xi32>
          %gather3A_133 = vector.shape_cast %broadcast_in_dim3A_132 : vector<16x1xi32> to vector<16xi32>
          %gather3A_134 = tpu.dynamic_gather %add3A_128[%gather3A_133] in [0] : vector<16xf32>, vector<16xi32> -> vector<16xf32>
          %add3A_135 = arith.addf %add3A_128, %gather3A_134 : vector<16xf32>
          %xor3A_136 = arith.constant 1 : i32
          %xor3A_137 = vector.broadcast %xor3A_136 : i32 to vector<16xi32>
          %xor3A_138 = arith.xori %iota3A, %xor3A_137 : vector<16xi32>
          %broadcast_in_dim3A_139 = vector.shape_cast %xor3A_138 : vector<16xi32> to vector<16x1xi32>
          %gather3A_140 = vector.shape_cast %broadcast_in_dim3A_139 : vector<16x1xi32> to vector<16xi32>
          %gather3A_141 = tpu.dynamic_gather %max3A_109[%gather3A_140] in [0] : vector<16xf32>, vector<16xi32> -> vector<16xf32>
          %max3A_142 = arith.maximumf %max3A_109, %gather3A_141 : vector<16xf32>
          %xor3A_143 = arith.constant 2 : i32
          %xor3A_144 = vector.broadcast %xor3A_143 : i32 to vector<16xi32>
          %xor3A_145 = arith.xori %iota3A, %xor3A_144 : vector<16xi32>
          %broadcast_in_dim3A_146 = vector.shape_cast %xor3A_145 : vector<16xi32> to vector<16x1xi32>
          %gather3A_147 = vector.shape_cast %broadcast_in_dim3A_146 : vector<16x1xi32> to vector<16xi32>
          %gather3A_148 = tpu.dynamic_gather %max3A_142[%gather3A_147] in [0] : vector<16xf32>, vector<16xi32> -> vector<16xf32>
          %max3A_149 = arith.maximumf %max3A_142, %gather3A_148 : vector<16xf32>
          %xor3A_150 = arith.constant 4 : i32
          %xor3A_151 = vector.broadcast %xor3A_150 : i32 to vector<16xi32>
          %xor3A_152 = arith.xori %iota3A, %xor3A_151 : vector<16xi32>
          %broadcast_in_dim3A_153 = vector.shape_cast %xor3A_152 : vector<16xi32> to vector<16x1xi32>
          %gather3A_154 = vector.shape_cast %broadcast_in_dim3A_153 : vector<16x1xi32> to vector<16xi32>
          %gather3A_155 = tpu.dynamic_gather %max3A_149[%gather3A_154] in [0] : vector<16xf32>, vector<16xi32> -> vector<16xf32>
          %max3A_156 = arith.maximumf %max3A_149, %gather3A_155 : vector<16xf32>
          %xor3A_157 = arith.constant 8 : i32
          %xor3A_158 = vector.broadcast %xor3A_157 : i32 to vector<16xi32>
          %xor3A_159 = arith.xori %iota3A, %xor3A_158 : vector<16xi32>
          %broadcast_in_dim3A_160 = vector.shape_cast %xor3A_159 : vector<16xi32> to vector<16x1xi32>
          %gather3A_161 = vector.shape_cast %broadcast_in_dim3A_160 : vector<16x1xi32> to vector<16xi32>
          %gather3A_162 = tpu.dynamic_gather %max3A_156[%gather3A_161] in [0] : vector<16xf32>, vector<16xi32> -> vector<16xf32>
          %max3A_163 = arith.maximumf %max3A_156, %gather3A_162 : vector<16xf32>
          %xor3A_164 = arith.constant 1 : i32
          %xor3A_165 = vector.broadcast %xor3A_164 : i32 to vector<16xi32>
          %xor3A_166 = arith.xori %iota3A, %xor3A_165 : vector<16xi32>
          %broadcast_in_dim3A_167 = vector.shape_cast %xor3A_166 : vector<16xi32> to vector<16x1xi32>
          %gather3A_168 = vector.shape_cast %broadcast_in_dim3A_167 : vector<16x1xi32> to vector<16xi32>
          %gather3A_169 = tpu.dynamic_gather %min3A_110[%gather3A_168] in [0] : vector<16xf32>, vector<16xi32> -> vector<16xf32>
          %min3A_170 = arith.minimumf %min3A_110, %gather3A_169 : vector<16xf32>
          %xor3A_171 = arith.constant 2 : i32
          %xor3A_172 = vector.broadcast %xor3A_171 : i32 to vector<16xi32>
          %xor3A_173 = arith.xori %iota3A, %xor3A_172 : vector<16xi32>
          %broadcast_in_dim3A_174 = vector.shape_cast %xor3A_173 : vector<16xi32> to vector<16x1xi32>
          %gather3A_175 = vector.shape_cast %broadcast_in_dim3A_174 : vector<16x1xi32> to vector<16xi32>
          %gather3A_176 = tpu.dynamic_gather %min3A_170[%gather3A_175] in [0] : vector<16xf32>, vector<16xi32> -> vector<16xf32>
          %min3A_177 = arith.minimumf %min3A_170, %gather3A_176 : vector<16xf32>
          %xor3A_178 = arith.constant 4 : i32
          %xor3A_179 = vector.broadcast %xor3A_178 : i32 to vector<16xi32>
          %xor3A_180 = arith.xori %iota3A, %xor3A_179 : vector<16xi32>
          %broadcast_in_dim3A_181 = vector.shape_cast %xor3A_180 : vector<16xi32> to vector<16x1xi32>
          %gather3A_182 = vector.shape_cast %broadcast_in_dim3A_181 : vector<16x1xi32> to vector<16xi32>
          %gather3A_183 = tpu.dynamic_gather %min3A_177[%gather3A_182] in [0] : vector<16xf32>, vector<16xi32> -> vector<16xf32>
          %min3A_184 = arith.minimumf %min3A_177, %gather3A_183 : vector<16xf32>
          %xor3A_185 = arith.constant 8 : i32
          %xor3A_186 = vector.broadcast %xor3A_185 : i32 to vector<16xi32>
          %xor3A_187 = arith.xori %iota3A, %xor3A_186 : vector<16xi32>
          %broadcast_in_dim3A_188 = vector.shape_cast %xor3A_187 : vector<16xi32> to vector<16x1xi32>
          %gather3A_189 = vector.shape_cast %broadcast_in_dim3A_188 : vector<16x1xi32> to vector<16xi32>
          %gather3A_190 = tpu.dynamic_gather %min3A_184[%gather3A_189] in [0] : vector<16xf32>, vector<16xi32> -> vector<16xf32>
          %min3A_191 = arith.minimumf %min3A_184, %gather3A_190 : vector<16xf32>
          %sub3A = arith.subf %max3A_163, %min3A_191 : vector<16xf32>
          %max3A_192 = arith.constant 1.000000e+00 : f32
          %max3A_193 = vector.broadcast %max3A_192 : f32 to vector<16xf32>
          %max3A_194 = arith.maximumf %sub3A, %max3A_193 : vector<16xf32>
          %mul3A_195 = arith.constant 0.000000e+00 : f32
          %mul3A_196 = vector.broadcast %mul3A_195 : f32 to vector<16xf32>
          %mul3A_197 = arith.mulf %add3A_135, %mul3A_196 : vector<16xf32>
          %sub3A_198 = arith.subf %mul3A_47, %mul3A_197 : vector<16xf32>
          %jit3A_199 = arith.constant 0.000000e+00 : f32
          %jit3A_200 = arith.constant 5.000000e+02 : f32
          %max3A_201 = vector.broadcast %jit3A_199 : f32 to vector<16xf32>
          %max3A_202 = arith.maximumf %max3A_201, %sub3A_198 : vector<16xf32>
          %min3A_203 = vector.broadcast %jit3A_200 : f32 to vector<16xf32>
          %min3A_204 = arith.minimumf %min3A_203, %max3A_202 : vector<16xf32>
          %sub3A_205 = arith.subf %mul3A_53, %mul3A_197 : vector<16xf32>
          %jit3A_206 = arith.constant 0.000000e+00 : f32
          %jit3A_207 = arith.constant 5.000000e+02 : f32
          %max3A_208 = vector.broadcast %jit3A_206 : f32 to vector<16xf32>
          %max3A_209 = arith.maximumf %max3A_208, %sub3A_205 : vector<16xf32>
          %min3A_210 = vector.broadcast %jit3A_207 : f32 to vector<16xf32>
          %min3A_211 = arith.minimumf %min3A_210, %max3A_209 : vector<16xf32>
          %add3A_212 = arith.addf %min3A_204, %min3A_211 : vector<16xf32>
          %sub3A_213 = arith.subf %mul3A_59, %mul3A_197 : vector<16xf32>
          %jit3A_214 = arith.constant 0.000000e+00 : f32
          %jit3A_215 = arith.constant 5.000000e+02 : f32
          %max3A_216 = vector.broadcast %jit3A_214 : f32 to vector<16xf32>
          %max3A_217 = arith.maximumf %max3A_216, %sub3A_213 : vector<16xf32>
          %min3A_218 = vector.broadcast %jit3A_215 : f32 to vector<16xf32>
          %min3A_219 = arith.minimumf %min3A_218, %max3A_217 : vector<16xf32>
          %add3A_220 = arith.addf %add3A_212, %min3A_219 : vector<16xf32>
          %sub3A_221 = arith.subf %mul3A_65, %mul3A_197 : vector<16xf32>
          %jit3A_222 = arith.constant 0.000000e+00 : f32
          %jit3A_223 = arith.constant 5.000000e+02 : f32
          %max3A_224 = vector.broadcast %jit3A_222 : f32 to vector<16xf32>
          %max3A_225 = arith.maximumf %max3A_224, %sub3A_221 : vector<16xf32>
          %min3A_226 = vector.broadcast %jit3A_223 : f32 to vector<16xf32>
          %min3A_227 = arith.minimumf %min3A_226, %max3A_225 : vector<16xf32>
          %add3A_228 = arith.addf %add3A_220, %min3A_227 : vector<16xf32>
          %sub3A_229 = arith.subf %mul3A_71, %mul3A_197 : vector<16xf32>
          %jit3A_230 = arith.constant 0.000000e+00 : f32
          %jit3A_231 = arith.constant 5.000000e+02 : f32
          %max3A_232 = vector.broadcast %jit3A_230 : f32 to vector<16xf32>
          %max3A_233 = arith.maximumf %max3A_232, %sub3A_229 : vector<16xf32>
          %min3A_234 = vector.broadcast %jit3A_231 : f32 to vector<16xf32>
          %min3A_235 = arith.minimumf %min3A_234, %max3A_233 : vector<16xf32>
          %add3A_236 = arith.addf %add3A_228, %min3A_235 : vector<16xf32>
          %sub3A_237 = arith.subf %mul3A_77, %mul3A_197 : vector<16xf32>
          %jit3A_238 = arith.constant 0.000000e+00 : f32
          %jit3A_239 = arith.constant 5.000000e+02 : f32
          %max3A_240 = vector.broadcast %jit3A_238 : f32 to vector<16xf32>
          %max3A_241 = arith.maximumf %max3A_240, %sub3A_237 : vector<16xf32>
          %min3A_242 = vector.broadcast %jit3A_239 : f32 to vector<16xf32>
          %min3A_243 = arith.minimumf %min3A_242, %max3A_241 : vector<16xf32>
          %add3A_244 = arith.addf %add3A_236, %min3A_243 : vector<16xf32>
          %sub3A_245 = arith.subf %mul3A_83, %mul3A_197 : vector<16xf32>
          %jit3A_246 = arith.constant 0.000000e+00 : f32
          %jit3A_247 = arith.constant 5.000000e+02 : f32
          %max3A_248 = vector.broadcast %jit3A_246 : f32 to vector<16xf32>
          %max3A_249 = arith.maximumf %max3A_248, %sub3A_245 : vector<16xf32>
          %min3A_250 = vector.broadcast %jit3A_247 : f32 to vector<16xf32>
          %min3A_251 = arith.minimumf %min3A_250, %max3A_249 : vector<16xf32>
          %add3A_252 = arith.addf %add3A_244, %min3A_251 : vector<16xf32>
          %sub3A_253 = arith.subf %mul3A_89, %mul3A_197 : vector<16xf32>
          %jit3A_254 = arith.constant 0.000000e+00 : f32
          %jit3A_255 = arith.constant 5.000000e+02 : f32
          %max3A_256 = vector.broadcast %jit3A_254 : f32 to vector<16xf32>
          %max3A_257 = arith.maximumf %max3A_256, %sub3A_253 : vector<16xf32>
          %min3A_258 = vector.broadcast %jit3A_255 : f32 to vector<16xf32>
          %min3A_259 = arith.minimumf %min3A_258, %max3A_257 : vector<16xf32>
          %add3A_260 = arith.addf %add3A_252, %min3A_259 : vector<16xf32>
          %xor3A_261 = arith.constant 1 : i32
          %xor3A_262 = vector.broadcast %xor3A_261 : i32 to vector<16xi32>
          %xor3A_263 = arith.xori %iota3A, %xor3A_262 : vector<16xi32>
          %broadcast_in_dim3A_264 = vector.shape_cast %xor3A_263 : vector<16xi32> to vector<16x1xi32>
          %gather3A_265 = vector.shape_cast %broadcast_in_dim3A_264 : vector<16x1xi32> to vector<16xi32>
          %gather3A_266 = tpu.dynamic_gather %add3A_260[%gather3A_265] in [0] : vector<16xf32>, vector<16xi32> -> vector<16xf32>
          %add3A_267 = arith.addf %add3A_260, %gather3A_266 : vector<16xf32>
          %xor3A_268 = arith.constant 2 : i32
          %xor3A_269 = vector.broadcast %xor3A_268 : i32 to vector<16xi32>
          %xor3A_270 = arith.xori %iota3A, %xor3A_269 : vector<16xi32>
          %broadcast_in_dim3A_271 = vector.shape_cast %xor3A_270 : vector<16xi32> to vector<16x1xi32>
          %gather3A_272 = vector.shape_cast %broadcast_in_dim3A_271 : vector<16x1xi32> to vector<16xi32>
          %gather3A_273 = tpu.dynamic_gather %add3A_267[%gather3A_272] in [0] : vector<16xf32>, vector<16xi32> -> vector<16xf32>
          %add3A_274 = arith.addf %add3A_267, %gather3A_273 : vector<16xf32>
          %xor3A_275 = arith.constant 4 : i32
          %xor3A_276 = vector.broadcast %xor3A_275 : i32 to vector<16xi32>
          %xor3A_277 = arith.xori %iota3A, %xor3A_276 : vector<16xi32>
          %broadcast_in_dim3A_278 = vector.shape_cast %xor3A_277 : vector<16xi32> to vector<16x1xi32>
          %gather3A_279 = vector.shape_cast %broadcast_in_dim3A_278 : vector<16x1xi32> to vector<16xi32>
          %gather3A_280 = tpu.dynamic_gather %add3A_274[%gather3A_279] in [0] : vector<16xf32>, vector<16xi32> -> vector<16xf32>
          %add3A_281 = arith.addf %add3A_274, %gather3A_280 : vector<16xf32>
          %xor3A_282 = arith.constant 8 : i32
          %xor3A_283 = vector.broadcast %xor3A_282 : i32 to vector<16xi32>
          %xor3A_284 = arith.xori %iota3A, %xor3A_283 : vector<16xi32>
          %broadcast_in_dim3A_285 = vector.shape_cast %xor3A_284 : vector<16xi32> to vector<16x1xi32>
          %gather3A_286 = vector.shape_cast %broadcast_in_dim3A_285 : vector<16x1xi32> to vector<16xi32>
          %gather3A_287 = tpu.dynamic_gather %add3A_281[%gather3A_286] in [0] : vector<16xf32>, vector<16xi32> -> vector<16xf32>
          %add3A_288 = arith.addf %add3A_281, %gather3A_287 : vector<16xf32>
          %sub3A_289 = arith.subf %add3A_288, %add3A_135 : vector<16xf32>
          %mul3A_290 = arith.constant 5.000000e-01 : f32
          %mul3A_291 = vector.broadcast %mul3A_290 : f32 to vector<16xf32>
          %mul3A_292 = arith.mulf %max3A_194, %mul3A_291 : vector<16xf32>
          %ge3A = arith.constant 1.000000e-01 : f32
          %ge3A_293 = vector.broadcast %ge3A : f32 to vector<16xf32>
          %ge3A_294 = arith.cmpf oge, %sub3A_289, %ge3A_293 : vector<16xf32>
          %le3A = arith.constant -1.000000e-01 : f32
          %le3A_295 = vector.broadcast %le3A : f32 to vector<16xf32>
          %le3A_296 = arith.cmpf ole, %sub3A_289, %le3A_295 : vector<16xf32>
          %neg3A = arith.constant 0.000000e+00 : f32
          %neg3A_297 = vector.broadcast %neg3A : f32 to vector<16xf32>
          %neg3A_298 = arith.subf %neg3A_297, %mul3A_292 : vector<16xf32>
          %jit3A_299 = arith.constant 0.000000e+00 : f32
          %broadcast_in_dim3A_300 = vector.broadcast %jit3A_299 : f32 to vector<16xf32>
          %select_n3A = arith.select %le3A_296, %neg3A_298, %broadcast_in_dim3A_300 : vector<16xi1>, vector<16xf32>
          %select_n3A_301 = arith.select %ge3A_294, %mul3A_292, %select_n3A : vector<16xi1>, vector<16xf32>
          %add3A_302 = arith.addf %mul3A_197, %select_n3A_301 : vector<16xf32>
          %sub3A_303 = arith.subf %mul3A_47, %add3A_302 : vector<16xf32>
          %jit3A_304 = arith.constant 0.000000e+00 : f32
          %jit3A_305 = arith.constant 5.000000e+02 : f32
          %max3A_306 = vector.broadcast %jit3A_304 : f32 to vector<16xf32>
          %max3A_307 = arith.maximumf %max3A_306, %sub3A_303 : vector<16xf32>
          %min3A_308 = vector.broadcast %jit3A_305 : f32 to vector<16xf32>
          %min3A_309 = arith.minimumf %min3A_308, %max3A_307 : vector<16xf32>
          %sub3A_310 = arith.subf %mul3A_53, %add3A_302 : vector<16xf32>
          %jit3A_311 = arith.constant 0.000000e+00 : f32
          %jit3A_312 = arith.constant 5.000000e+02 : f32
          %max3A_313 = vector.broadcast %jit3A_311 : f32 to vector<16xf32>
          %max3A_314 = arith.maximumf %max3A_313, %sub3A_310 : vector<16xf32>
          %min3A_315 = vector.broadcast %jit3A_312 : f32 to vector<16xf32>
          %min3A_316 = arith.minimumf %min3A_315, %max3A_314 : vector<16xf32>
          %add3A_317 = arith.addf %min3A_309, %min3A_316 : vector<16xf32>
          %sub3A_318 = arith.subf %mul3A_59, %add3A_302 : vector<16xf32>
          %jit3A_319 = arith.constant 0.000000e+00 : f32
          %jit3A_320 = arith.constant 5.000000e+02 : f32
          %max3A_321 = vector.broadcast %jit3A_319 : f32 to vector<16xf32>
          %max3A_322 = arith.maximumf %max3A_321, %sub3A_318 : vector<16xf32>
          %min3A_323 = vector.broadcast %jit3A_320 : f32 to vector<16xf32>
          %min3A_324 = arith.minimumf %min3A_323, %max3A_322 : vector<16xf32>
          %add3A_325 = arith.addf %add3A_317, %min3A_324 : vector<16xf32>
          %sub3A_326 = arith.subf %mul3A_65, %add3A_302 : vector<16xf32>
          %jit3A_327 = arith.constant 0.000000e+00 : f32
          %jit3A_328 = arith.constant 5.000000e+02 : f32
          %max3A_329 = vector.broadcast %jit3A_327 : f32 to vector<16xf32>
          %max3A_330 = arith.maximumf %max3A_329, %sub3A_326 : vector<16xf32>
          %min3A_331 = vector.broadcast %jit3A_328 : f32 to vector<16xf32>
          %min3A_332 = arith.minimumf %min3A_331, %max3A_330 : vector<16xf32>
          %add3A_333 = arith.addf %add3A_325, %min3A_332 : vector<16xf32>
          %sub3A_334 = arith.subf %mul3A_71, %add3A_302 : vector<16xf32>
          %jit3A_335 = arith.constant 0.000000e+00 : f32
          %jit3A_336 = arith.constant 5.000000e+02 : f32
          %max3A_337 = vector.broadcast %jit3A_335 : f32 to vector<16xf32>
          %max3A_338 = arith.maximumf %max3A_337, %sub3A_334 : vector<16xf32>
          %min3A_339 = vector.broadcast %jit3A_336 : f32 to vector<16xf32>
          %min3A_340 = arith.minimumf %min3A_339, %max3A_338 : vector<16xf32>
          %add3A_341 = arith.addf %add3A_333, %min3A_340 : vector<16xf32>
          %sub3A_342 = arith.subf %mul3A_77, %add3A_302 : vector<16xf32>
          %jit3A_343 = arith.constant 0.000000e+00 : f32
          %jit3A_344 = arith.constant 5.000000e+02 : f32
          %max3A_345 = vector.broadcast %jit3A_343 : f32 to vector<16xf32>
          %max3A_346 = arith.maximumf %max3A_345, %sub3A_342 : vector<16xf32>
          %min3A_347 = vector.broadcast %jit3A_344 : f32 to vector<16xf32>
          %min3A_348 = arith.minimumf %min3A_347, %max3A_346 : vector<16xf32>
          %add3A_349 = arith.addf %add3A_341, %min3A_348 : vector<16xf32>
          %sub3A_350 = arith.subf %mul3A_83, %add3A_302 : vector<16xf32>
          %jit3A_351 = arith.constant 0.000000e+00 : f32
          %jit3A_352 = arith.constant 5.000000e+02 : f32
          %max3A_353 = vector.broadcast %jit3A_351 : f32 to vector<16xf32>
          %max3A_354 = arith.maximumf %max3A_353, %sub3A_350 : vector<16xf32>
          %min3A_355 = vector.broadcast %jit3A_352 : f32 to vector<16xf32>
          %min3A_356 = arith.minimumf %min3A_355, %max3A_354 : vector<16xf32>
          %add3A_357 = arith.addf %add3A_349, %min3A_356 : vector<16xf32>
          %sub3A_358 = arith.subf %mul3A_89, %add3A_302 : vector<16xf32>
          %jit3A_359 = arith.constant 0.000000e+00 : f32
          %jit3A_360 = arith.constant 5.000000e+02 : f32
          %max3A_361 = vector.broadcast %jit3A_359 : f32 to vector<16xf32>
          %max3A_362 = arith.maximumf %max3A_361, %sub3A_358 : vector<16xf32>
          %min3A_363 = vector.broadcast %jit3A_360 : f32 to vector<16xf32>
          %min3A_364 = arith.minimumf %min3A_363, %max3A_362 : vector<16xf32>
          %add3A_365 = arith.addf %add3A_357, %min3A_364 : vector<16xf32>
          %xor3A_366 = arith.constant 1 : i32
          %xor3A_367 = vector.broadcast %xor3A_366 : i32 to vector<16xi32>
          %xor3A_368 = arith.xori %iota3A, %xor3A_367 : vector<16xi32>
          %broadcast_in_dim3A_369 = vector.shape_cast %xor3A_368 : vector<16xi32> to vector<16x1xi32>
          %gather3A_370 = vector.shape_cast %broadcast_in_dim3A_369 : vector<16x1xi32> to vector<16xi32>
          %gather3A_371 = tpu.dynamic_gather %add3A_365[%gather3A_370] in [0] : vector<16xf32>, vector<16xi32> -> vector<16xf32>
          %add3A_372 = arith.addf %add3A_365, %gather3A_371 : vector<16xf32>
          %xor3A_373 = arith.constant 2 : i32
          %xor3A_374 = vector.broadcast %xor3A_373 : i32 to vector<16xi32>
          %xor3A_375 = arith.xori %iota3A, %xor3A_374 : vector<16xi32>
          %broadcast_in_dim3A_376 = vector.shape_cast %xor3A_375 : vector<16xi32> to vector<16x1xi32>
          %gather3A_377 = vector.shape_cast %broadcast_in_dim3A_376 : vector<16x1xi32> to vector<16xi32>
          %gather3A_378 = tpu.dynamic_gather %add3A_372[%gather3A_377] in [0] : vector<16xf32>, vector<16xi32> -> vector<16xf32>
          %add3A_379 = arith.addf %add3A_372, %gather3A_378 : vector<16xf32>
          %xor3A_380 = arith.constant 4 : i32
          %xor3A_381 = vector.broadcast %xor3A_380 : i32 to vector<16xi32>
          %xor3A_382 = arith.xori %iota3A, %xor3A_381 : vector<16xi32>
          %broadcast_in_dim3A_383 = vector.shape_cast %xor3A_382 : vector<16xi32> to vector<16x1xi32>
          %gather3A_384 = vector.shape_cast %broadcast_in_dim3A_383 : vector<16x1xi32> to vector<16xi32>
          %gather3A_385 = tpu.dynamic_gather %add3A_379[%gather3A_384] in [0] : vector<16xf32>, vector<16xi32> -> vector<16xf32>
          %add3A_386 = arith.addf %add3A_379, %gather3A_385 : vector<16xf32>
          %xor3A_387 = arith.constant 8 : i32
          %xor3A_388 = vector.broadcast %xor3A_387 : i32 to vector<16xi32>
          %xor3A_389 = arith.xori %iota3A, %xor3A_388 : vector<16xi32>
          %broadcast_in_dim3A_390 = vector.shape_cast %xor3A_389 : vector<16xi32> to vector<16x1xi32>
          %gather3A_391 = vector.shape_cast %broadcast_in_dim3A_390 : vector<16x1xi32> to vector<16xi32>
          %gather3A_392 = tpu.dynamic_gather %add3A_386[%gather3A_391] in [0] : vector<16xf32>, vector<16xi32> -> vector<16xf32>
          %add3A_393 = arith.addf %add3A_386, %gather3A_392 : vector<16xf32>
          %sub3A_394 = arith.subf %add3A_393, %add3A_135 : vector<16xf32>
          %mul3A_395 = arith.constant 2.500000e-01 : f32
          %mul3A_396 = vector.broadcast %mul3A_395 : f32 to vector<16xf32>
          %mul3A_397 = arith.mulf %max3A_194, %mul3A_396 : vector<16xf32>
          %ge3A_398 = arith.constant 1.000000e-01 : f32
          %ge3A_399 = vector.broadcast %ge3A_398 : f32 to vector<16xf32>
          %ge3A_400 = arith.cmpf oge, %sub3A_394, %ge3A_399 : vector<16xf32>
          %le3A_401 = arith.constant -1.000000e-01 : f32
          %le3A_402 = vector.broadcast %le3A_401 : f32 to vector<16xf32>
          %le3A_403 = arith.cmpf ole, %sub3A_394, %le3A_402 : vector<16xf32>
          %neg3A_404 = arith.constant 0.000000e+00 : f32
          %neg3A_405 = vector.broadcast %neg3A_404 : f32 to vector<16xf32>
          %neg3A_406 = arith.subf %neg3A_405, %mul3A_397 : vector<16xf32>
          %jit3A_407 = arith.constant 0.000000e+00 : f32
          %broadcast_in_dim3A_408 = vector.broadcast %jit3A_407 : f32 to vector<16xf32>
          %select_n3A_409 = arith.select %le3A_403, %neg3A_406, %broadcast_in_dim3A_408 : vector<16xi1>, vector<16xf32>
          %select_n3A_410 = arith.select %ge3A_400, %mul3A_397, %select_n3A_409 : vector<16xi1>, vector<16xf32>
          %add3A_411 = arith.addf %add3A_302, %select_n3A_410 : vector<16xf32>
          %sub3A_412 = arith.subf %mul3A_47, %add3A_411 : vector<16xf32>
          %jit3A_413 = arith.constant 0.000000e+00 : f32
          %jit3A_414 = arith.constant 5.000000e+02 : f32
          %max3A_415 = vector.broadcast %jit3A_413 : f32 to vector<16xf32>
          %max3A_416 = arith.maximumf %max3A_415, %sub3A_412 : vector<16xf32>
          %min3A_417 = vector.broadcast %jit3A_414 : f32 to vector<16xf32>
          %min3A_418 = arith.minimumf %min3A_417, %max3A_416 : vector<16xf32>
          %sub3A_419 = arith.subf %mul3A_53, %add3A_411 : vector<16xf32>
          %jit3A_420 = arith.constant 0.000000e+00 : f32
          %jit3A_421 = arith.constant 5.000000e+02 : f32
          %max3A_422 = vector.broadcast %jit3A_420 : f32 to vector<16xf32>
          %max3A_423 = arith.maximumf %max3A_422, %sub3A_419 : vector<16xf32>
          %min3A_424 = vector.broadcast %jit3A_421 : f32 to vector<16xf32>
          %min3A_425 = arith.minimumf %min3A_424, %max3A_423 : vector<16xf32>
          %add3A_426 = arith.addf %min3A_418, %min3A_425 : vector<16xf32>
          %sub3A_427 = arith.subf %mul3A_59, %add3A_411 : vector<16xf32>
          %jit3A_428 = arith.constant 0.000000e+00 : f32
          %jit3A_429 = arith.constant 5.000000e+02 : f32
          %max3A_430 = vector.broadcast %jit3A_428 : f32 to vector<16xf32>
          %max3A_431 = arith.maximumf %max3A_430, %sub3A_427 : vector<16xf32>
          %min3A_432 = vector.broadcast %jit3A_429 : f32 to vector<16xf32>
          %min3A_433 = arith.minimumf %min3A_432, %max3A_431 : vector<16xf32>
          %add3A_434 = arith.addf %add3A_426, %min3A_433 : vector<16xf32>
          %sub3A_435 = arith.subf %mul3A_65, %add3A_411 : vector<16xf32>
          %jit3A_436 = arith.constant 0.000000e+00 : f32
          %jit3A_437 = arith.constant 5.000000e+02 : f32
          %max3A_438 = vector.broadcast %jit3A_436 : f32 to vector<16xf32>
          %max3A_439 = arith.maximumf %max3A_438, %sub3A_435 : vector<16xf32>
          %min3A_440 = vector.broadcast %jit3A_437 : f32 to vector<16xf32>
          %min3A_441 = arith.minimumf %min3A_440, %max3A_439 : vector<16xf32>
          %add3A_442 = arith.addf %add3A_434, %min3A_441 : vector<16xf32>
          %sub3A_443 = arith.subf %mul3A_71, %add3A_411 : vector<16xf32>
          %jit3A_444 = arith.constant 0.000000e+00 : f32
          %jit3A_445 = arith.constant 5.000000e+02 : f32
          %max3A_446 = vector.broadcast %jit3A_444 : f32 to vector<16xf32>
          %max3A_447 = arith.maximumf %max3A_446, %sub3A_443 : vector<16xf32>
          %min3A_448 = vector.broadcast %jit3A_445 : f32 to vector<16xf32>
          %min3A_449 = arith.minimumf %min3A_448, %max3A_447 : vector<16xf32>
          %add3A_450 = arith.addf %add3A_442, %min3A_449 : vector<16xf32>
          %sub3A_451 = arith.subf %mul3A_77, %add3A_411 : vector<16xf32>
          %jit3A_452 = arith.constant 0.000000e+00 : f32
          %jit3A_453 = arith.constant 5.000000e+02 : f32
          %max3A_454 = vector.broadcast %jit3A_452 : f32 to vector<16xf32>
          %max3A_455 = arith.maximumf %max3A_454, %sub3A_451 : vector<16xf32>
          %min3A_456 = vector.broadcast %jit3A_453 : f32 to vector<16xf32>
          %min3A_457 = arith.minimumf %min3A_456, %max3A_455 : vector<16xf32>
          %add3A_458 = arith.addf %add3A_450, %min3A_457 : vector<16xf32>
          %sub3A_459 = arith.subf %mul3A_83, %add3A_411 : vector<16xf32>
          %jit3A_460 = arith.constant 0.000000e+00 : f32
          %jit3A_461 = arith.constant 5.000000e+02 : f32
          %max3A_462 = vector.broadcast %jit3A_460 : f32 to vector<16xf32>
          %max3A_463 = arith.maximumf %max3A_462, %sub3A_459 : vector<16xf32>
          %min3A_464 = vector.broadcast %jit3A_461 : f32 to vector<16xf32>
          %min3A_465 = arith.minimumf %min3A_464, %max3A_463 : vector<16xf32>
          %add3A_466 = arith.addf %add3A_458, %min3A_465 : vector<16xf32>
          %sub3A_467 = arith.subf %mul3A_89, %add3A_411 : vector<16xf32>
          %jit3A_468 = arith.constant 0.000000e+00 : f32
          %jit3A_469 = arith.constant 5.000000e+02 : f32
          %max3A_470 = vector.broadcast %jit3A_468 : f32 to vector<16xf32>
          %max3A_471 = arith.maximumf %max3A_470, %sub3A_467 : vector<16xf32>
          %min3A_472 = vector.broadcast %jit3A_469 : f32 to vector<16xf32>
          %min3A_473 = arith.minimumf %min3A_472, %max3A_471 : vector<16xf32>
          %add3A_474 = arith.addf %add3A_466, %min3A_473 : vector<16xf32>
          %xor3A_475 = arith.constant 1 : i32
          %xor3A_476 = vector.broadcast %xor3A_475 : i32 to vector<16xi32>
          %xor3A_477 = arith.xori %iota3A, %xor3A_476 : vector<16xi32>
          %broadcast_in_dim3A_478 = vector.shape_cast %xor3A_477 : vector<16xi32> to vector<16x1xi32>
          %gather3A_479 = vector.shape_cast %broadcast_in_dim3A_478 : vector<16x1xi32> to vector<16xi32>
          %gather3A_480 = tpu.dynamic_gather %add3A_474[%gather3A_479] in [0] : vector<16xf32>, vector<16xi32> -> vector<16xf32>
          %add3A_481 = arith.addf %add3A_474, %gather3A_480 : vector<16xf32>
          %xor3A_482 = arith.constant 2 : i32
          %xor3A_483 = vector.broadcast %xor3A_482 : i32 to vector<16xi32>
          %xor3A_484 = arith.xori %iota3A, %xor3A_483 : vector<16xi32>
          %broadcast_in_dim3A_485 = vector.shape_cast %xor3A_484 : vector<16xi32> to vector<16x1xi32>
          %gather3A_486 = vector.shape_cast %broadcast_in_dim3A_485 : vector<16x1xi32> to vector<16xi32>
          %gather3A_487 = tpu.dynamic_gather %add3A_481[%gather3A_486] in [0] : vector<16xf32>, vector<16xi32> -> vector<16xf32>
          %add3A_488 = arith.addf %add3A_481, %gather3A_487 : vector<16xf32>
          %xor3A_489 = arith.constant 4 : i32
          %xor3A_490 = vector.broadcast %xor3A_489 : i32 to vector<16xi32>
          %xor3A_491 = arith.xori %iota3A, %xor3A_490 : vector<16xi32>
          %broadcast_in_dim3A_492 = vector.shape_cast %xor3A_491 : vector<16xi32> to vector<16x1xi32>
          %gather3A_493 = vector.shape_cast %broadcast_in_dim3A_492 : vector<16x1xi32> to vector<16xi32>
          %gather3A_494 = tpu.dynamic_gather %add3A_488[%gather3A_493] in [0] : vector<16xf32>, vector<16xi32> -> vector<16xf32>
          %add3A_495 = arith.addf %add3A_488, %gather3A_494 : vector<16xf32>
          %xor3A_496 = arith.constant 8 : i32
          %xor3A_497 = vector.broadcast %xor3A_496 : i32 to vector<16xi32>
          %xor3A_498 = arith.xori %iota3A, %xor3A_497 : vector<16xi32>
          %broadcast_in_dim3A_499 = vector.shape_cast %xor3A_498 : vector<16xi32> to vector<16x1xi32>
          %gather3A_500 = vector.shape_cast %broadcast_in_dim3A_499 : vector<16x1xi32> to vector<16xi32>
          %gather3A_501 = tpu.dynamic_gather %add3A_495[%gather3A_500] in [0] : vector<16xf32>, vector<16xi32> -> vector<16xf32>
          %add3A_502 = arith.addf %add3A_495, %gather3A_501 : vector<16xf32>
          %sub3A_503 = arith.subf %add3A_502, %add3A_135 : vector<16xf32>
          %mul3A_504 = arith.constant 1.250000e-01 : f32
          %mul3A_505 = vector.broadcast %mul3A_504 : f32 to vector<16xf32>
          %mul3A_506 = arith.mulf %max3A_194, %mul3A_505 : vector<16xf32>
          %ge3A_507 = arith.constant 1.000000e-01 : f32
          %ge3A_508 = vector.broadcast %ge3A_507 : f32 to vector<16xf32>
          %ge3A_509 = arith.cmpf oge, %sub3A_503, %ge3A_508 : vector<16xf32>
          %le3A_510 = arith.constant -1.000000e-01 : f32
          %le3A_511 = vector.broadcast %le3A_510 : f32 to vector<16xf32>
          %le3A_512 = arith.cmpf ole, %sub3A_503, %le3A_511 : vector<16xf32>
          %neg3A_513 = arith.constant 0.000000e+00 : f32
          %neg3A_514 = vector.broadcast %neg3A_513 : f32 to vector<16xf32>
          %neg3A_515 = arith.subf %neg3A_514, %mul3A_506 : vector<16xf32>
          %jit3A_516 = arith.constant 0.000000e+00 : f32
          %broadcast_in_dim3A_517 = vector.broadcast %jit3A_516 : f32 to vector<16xf32>
          %select_n3A_518 = arith.select %le3A_512, %neg3A_515, %broadcast_in_dim3A_517 : vector<16xi1>, vector<16xf32>
          %select_n3A_519 = arith.select %ge3A_509, %mul3A_506, %select_n3A_518 : vector<16xi1>, vector<16xf32>
          %add3A_520 = arith.addf %add3A_411, %select_n3A_519 : vector<16xf32>
          %sub3A_521 = arith.subf %mul3A_47, %add3A_520 : vector<16xf32>
          %jit3A_522 = arith.constant 0.000000e+00 : f32
          %jit3A_523 = arith.constant 5.000000e+02 : f32
          %max3A_524 = vector.broadcast %jit3A_522 : f32 to vector<16xf32>
          %max3A_525 = arith.maximumf %max3A_524, %sub3A_521 : vector<16xf32>
          %min3A_526 = vector.broadcast %jit3A_523 : f32 to vector<16xf32>
          %min3A_527 = arith.minimumf %min3A_526, %max3A_525 : vector<16xf32>
          %sub3A_528 = arith.subf %mul3A_53, %add3A_520 : vector<16xf32>
          %jit3A_529 = arith.constant 0.000000e+00 : f32
          %jit3A_530 = arith.constant 5.000000e+02 : f32
          %max3A_531 = vector.broadcast %jit3A_529 : f32 to vector<16xf32>
          %max3A_532 = arith.maximumf %max3A_531, %sub3A_528 : vector<16xf32>
          %min3A_533 = vector.broadcast %jit3A_530 : f32 to vector<16xf32>
          %min3A_534 = arith.minimumf %min3A_533, %max3A_532 : vector<16xf32>
          %add3A_535 = arith.addf %min3A_527, %min3A_534 : vector<16xf32>
          %sub3A_536 = arith.subf %mul3A_59, %add3A_520 : vector<16xf32>
          %jit3A_537 = arith.constant 0.000000e+00 : f32
          %jit3A_538 = arith.constant 5.000000e+02 : f32
          %max3A_539 = vector.broadcast %jit3A_537 : f32 to vector<16xf32>
          %max3A_540 = arith.maximumf %max3A_539, %sub3A_536 : vector<16xf32>
          %min3A_541 = vector.broadcast %jit3A_538 : f32 to vector<16xf32>
          %min3A_542 = arith.minimumf %min3A_541, %max3A_540 : vector<16xf32>
          %add3A_543 = arith.addf %add3A_535, %min3A_542 : vector<16xf32>
          %sub3A_544 = arith.subf %mul3A_65, %add3A_520 : vector<16xf32>
          %jit3A_545 = arith.constant 0.000000e+00 : f32
          %jit3A_546 = arith.constant 5.000000e+02 : f32
          %max3A_547 = vector.broadcast %jit3A_545 : f32 to vector<16xf32>
          %max3A_548 = arith.maximumf %max3A_547, %sub3A_544 : vector<16xf32>
          %min3A_549 = vector.broadcast %jit3A_546 : f32 to vector<16xf32>
          %min3A_550 = arith.minimumf %min3A_549, %max3A_548 : vector<16xf32>
          %add3A_551 = arith.addf %add3A_543, %min3A_550 : vector<16xf32>
          %sub3A_552 = arith.subf %mul3A_71, %add3A_520 : vector<16xf32>
          %jit3A_553 = arith.constant 0.000000e+00 : f32
          %jit3A_554 = arith.constant 5.000000e+02 : f32
          %max3A_555 = vector.broadcast %jit3A_553 : f32 to vector<16xf32>
          %max3A_556 = arith.maximumf %max3A_555, %sub3A_552 : vector<16xf32>
          %min3A_557 = vector.broadcast %jit3A_554 : f32 to vector<16xf32>
          %min3A_558 = arith.minimumf %min3A_557, %max3A_556 : vector<16xf32>
          %add3A_559 = arith.addf %add3A_551, %min3A_558 : vector<16xf32>
          %sub3A_560 = arith.subf %mul3A_77, %add3A_520 : vector<16xf32>
          %jit3A_561 = arith.constant 0.000000e+00 : f32
          %jit3A_562 = arith.constant 5.000000e+02 : f32
          %max3A_563 = vector.broadcast %jit3A_561 : f32 to vector<16xf32>
          %max3A_564 = arith.maximumf %max3A_563, %sub3A_560 : vector<16xf32>
          %min3A_565 = vector.broadcast %jit3A_562 : f32 to vector<16xf32>
          %min3A_566 = arith.minimumf %min3A_565, %max3A_564 : vector<16xf32>
          %add3A_567 = arith.addf %add3A_559, %min3A_566 : vector<16xf32>
          %sub3A_568 = arith.subf %mul3A_83, %add3A_520 : vector<16xf32>
          %jit3A_569 = arith.constant 0.000000e+00 : f32
          %jit3A_570 = arith.constant 5.000000e+02 : f32
          %max3A_571 = vector.broadcast %jit3A_569 : f32 to vector<16xf32>
          %max3A_572 = arith.maximumf %max3A_571, %sub3A_568 : vector<16xf32>
          %min3A_573 = vector.broadcast %jit3A_570 : f32 to vector<16xf32>
          %min3A_574 = arith.minimumf %min3A_573, %max3A_572 : vector<16xf32>
          %add3A_575 = arith.addf %add3A_567, %min3A_574 : vector<16xf32>
          %sub3A_576 = arith.subf %mul3A_89, %add3A_520 : vector<16xf32>
          %jit3A_577 = arith.constant 0.000000e+00 : f32
          %jit3A_578 = arith.constant 5.000000e+02 : f32
          %max3A_579 = vector.broadcast %jit3A_577 : f32 to vector<16xf32>
          %max3A_580 = arith.maximumf %max3A_579, %sub3A_576 : vector<16xf32>
          %min3A_581 = vector.broadcast %jit3A_578 : f32 to vector<16xf32>
          %min3A_582 = arith.minimumf %min3A_581, %max3A_580 : vector<16xf32>
          %add3A_583 = arith.addf %add3A_575, %min3A_582 : vector<16xf32>
          %xor3A_584 = arith.constant 1 : i32
          %xor3A_585 = vector.broadcast %xor3A_584 : i32 to vector<16xi32>
          %xor3A_586 = arith.xori %iota3A, %xor3A_585 : vector<16xi32>
          %broadcast_in_dim3A_587 = vector.shape_cast %xor3A_586 : vector<16xi32> to vector<16x1xi32>
          %gather3A_588 = vector.shape_cast %broadcast_in_dim3A_587 : vector<16x1xi32> to vector<16xi32>
          %gather3A_589 = tpu.dynamic_gather %add3A_583[%gather3A_588] in [0] : vector<16xf32>, vector<16xi32> -> vector<16xf32>
          %add3A_590 = arith.addf %add3A_583, %gather3A_589 : vector<16xf32>
          %xor3A_591 = arith.constant 2 : i32
          %xor3A_592 = vector.broadcast %xor3A_591 : i32 to vector<16xi32>
          %xor3A_593 = arith.xori %iota3A, %xor3A_592 : vector<16xi32>
          %broadcast_in_dim3A_594 = vector.shape_cast %xor3A_593 : vector<16xi32> to vector<16x1xi32>
          %gather3A_595 = vector.shape_cast %broadcast_in_dim3A_594 : vector<16x1xi32> to vector<16xi32>
          %gather3A_596 = tpu.dynamic_gather %add3A_590[%gather3A_595] in [0] : vector<16xf32>, vector<16xi32> -> vector<16xf32>
          %add3A_597 = arith.addf %add3A_590, %gather3A_596 : vector<16xf32>
          %xor3A_598 = arith.constant 4 : i32
          %xor3A_599 = vector.broadcast %xor3A_598 : i32 to vector<16xi32>
          %xor3A_600 = arith.xori %iota3A, %xor3A_599 : vector<16xi32>
          %broadcast_in_dim3A_601 = vector.shape_cast %xor3A_600 : vector<16xi32> to vector<16x1xi32>
          %gather3A_602 = vector.shape_cast %broadcast_in_dim3A_601 : vector<16x1xi32> to vector<16xi32>
          %gather3A_603 = tpu.dynamic_gather %add3A_597[%gather3A_602] in [0] : vector<16xf32>, vector<16xi32> -> vector<16xf32>
          %add3A_604 = arith.addf %add3A_597, %gather3A_603 : vector<16xf32>
          %xor3A_605 = arith.constant 8 : i32
          %xor3A_606 = vector.broadcast %xor3A_605 : i32 to vector<16xi32>
          %xor3A_607 = arith.xori %iota3A, %xor3A_606 : vector<16xi32>
          %broadcast_in_dim3A_608 = vector.shape_cast %xor3A_607 : vector<16xi32> to vector<16x1xi32>
          %gather3A_609 = vector.shape_cast %broadcast_in_dim3A_608 : vector<16x1xi32> to vector<16xi32>
          %gather3A_610 = tpu.dynamic_gather %add3A_604[%gather3A_609] in [0] : vector<16xf32>, vector<16xi32> -> vector<16xf32>
          %add3A_611 = arith.addf %add3A_604, %gather3A_610 : vector<16xf32>
          %sub3A_612 = arith.subf %add3A_611, %add3A_135 : vector<16xf32>
          %mul3A_613 = arith.constant 6.250000e-02 : f32
          %mul3A_614 = vector.broadcast %mul3A_613 : f32 to vector<16xf32>
          %mul3A_615 = arith.mulf %max3A_194, %mul3A_614 : vector<16xf32>
          %ge3A_616 = arith.constant 1.000000e-01 : f32
          %ge3A_617 = vector.broadcast %ge3A_616 : f32 to vector<16xf32>
          %ge3A_618 = arith.cmpf oge, %sub3A_612, %ge3A_617 : vector<16xf32>
          %le3A_619 = arith.constant -1.000000e-01 : f32
          %le3A_620 = vector.broadcast %le3A_619 : f32 to vector<16xf32>
          %le3A_621 = arith.cmpf ole, %sub3A_612, %le3A_620 : vector<16xf32>
          %neg3A_622 = arith.constant 0.000000e+00 : f32
          %neg3A_623 = vector.broadcast %neg3A_622 : f32 to vector<16xf32>
          %neg3A_624 = arith.subf %neg3A_623, %mul3A_615 : vector<16xf32>
          %jit3A_625 = arith.constant 0.000000e+00 : f32
          %broadcast_in_dim3A_626 = vector.broadcast %jit3A_625 : f32 to vector<16xf32>
          %select_n3A_627 = arith.select %le3A_621, %neg3A_624, %broadcast_in_dim3A_626 : vector<16xi1>, vector<16xf32>
          %select_n3A_628 = arith.select %ge3A_618, %mul3A_615, %select_n3A_627 : vector<16xi1>, vector<16xf32>
          %add3A_629 = arith.addf %add3A_520, %select_n3A_628 : vector<16xf32>
          %sub3A_630 = arith.subf %mul3A_47, %add3A_629 : vector<16xf32>
          %jit3A_631 = arith.constant 0.000000e+00 : f32
          %jit3A_632 = arith.constant 5.000000e+02 : f32
          %max3A_633 = vector.broadcast %jit3A_631 : f32 to vector<16xf32>
          %max3A_634 = arith.maximumf %max3A_633, %sub3A_630 : vector<16xf32>
          %min3A_635 = vector.broadcast %jit3A_632 : f32 to vector<16xf32>
          %min3A_636 = arith.minimumf %min3A_635, %max3A_634 : vector<16xf32>
          %sub3A_637 = arith.subf %mul3A_53, %add3A_629 : vector<16xf32>
          %jit3A_638 = arith.constant 0.000000e+00 : f32
          %jit3A_639 = arith.constant 5.000000e+02 : f32
          %max3A_640 = vector.broadcast %jit3A_638 : f32 to vector<16xf32>
          %max3A_641 = arith.maximumf %max3A_640, %sub3A_637 : vector<16xf32>
          %min3A_642 = vector.broadcast %jit3A_639 : f32 to vector<16xf32>
          %min3A_643 = arith.minimumf %min3A_642, %max3A_641 : vector<16xf32>
          %add3A_644 = arith.addf %min3A_636, %min3A_643 : vector<16xf32>
          %sub3A_645 = arith.subf %mul3A_59, %add3A_629 : vector<16xf32>
          %jit3A_646 = arith.constant 0.000000e+00 : f32
          %jit3A_647 = arith.constant 5.000000e+02 : f32
          %max3A_648 = vector.broadcast %jit3A_646 : f32 to vector<16xf32>
          %max3A_649 = arith.maximumf %max3A_648, %sub3A_645 : vector<16xf32>
          %min3A_650 = vector.broadcast %jit3A_647 : f32 to vector<16xf32>
          %min3A_651 = arith.minimumf %min3A_650, %max3A_649 : vector<16xf32>
          %add3A_652 = arith.addf %add3A_644, %min3A_651 : vector<16xf32>
          %sub3A_653 = arith.subf %mul3A_65, %add3A_629 : vector<16xf32>
          %jit3A_654 = arith.constant 0.000000e+00 : f32
          %jit3A_655 = arith.constant 5.000000e+02 : f32
          %max3A_656 = vector.broadcast %jit3A_654 : f32 to vector<16xf32>
          %max3A_657 = arith.maximumf %max3A_656, %sub3A_653 : vector<16xf32>
          %min3A_658 = vector.broadcast %jit3A_655 : f32 to vector<16xf32>
          %min3A_659 = arith.minimumf %min3A_658, %max3A_657 : vector<16xf32>
          %add3A_660 = arith.addf %add3A_652, %min3A_659 : vector<16xf32>
          %sub3A_661 = arith.subf %mul3A_71, %add3A_629 : vector<16xf32>
          %jit3A_662 = arith.constant 0.000000e+00 : f32
          %jit3A_663 = arith.constant 5.000000e+02 : f32
          %max3A_664 = vector.broadcast %jit3A_662 : f32 to vector<16xf32>
          %max3A_665 = arith.maximumf %max3A_664, %sub3A_661 : vector<16xf32>
          %min3A_666 = vector.broadcast %jit3A_663 : f32 to vector<16xf32>
          %min3A_667 = arith.minimumf %min3A_666, %max3A_665 : vector<16xf32>
          %add3A_668 = arith.addf %add3A_660, %min3A_667 : vector<16xf32>
          %sub3A_669 = arith.subf %mul3A_77, %add3A_629 : vector<16xf32>
          %jit3A_670 = arith.constant 0.000000e+00 : f32
          %jit3A_671 = arith.constant 5.000000e+02 : f32
          %max3A_672 = vector.broadcast %jit3A_670 : f32 to vector<16xf32>
          %max3A_673 = arith.maximumf %max3A_672, %sub3A_669 : vector<16xf32>
          %min3A_674 = vector.broadcast %jit3A_671 : f32 to vector<16xf32>
          %min3A_675 = arith.minimumf %min3A_674, %max3A_673 : vector<16xf32>
          %add3A_676 = arith.addf %add3A_668, %min3A_675 : vector<16xf32>
          %sub3A_677 = arith.subf %mul3A_83, %add3A_629 : vector<16xf32>
          %jit3A_678 = arith.constant 0.000000e+00 : f32
          %jit3A_679 = arith.constant 5.000000e+02 : f32
          %max3A_680 = vector.broadcast %jit3A_678 : f32 to vector<16xf32>
          %max3A_681 = arith.maximumf %max3A_680, %sub3A_677 : vector<16xf32>
          %min3A_682 = vector.broadcast %jit3A_679 : f32 to vector<16xf32>
          %min3A_683 = arith.minimumf %min3A_682, %max3A_681 : vector<16xf32>
          %add3A_684 = arith.addf %add3A_676, %min3A_683 : vector<16xf32>
          %sub3A_685 = arith.subf %mul3A_89, %add3A_629 : vector<16xf32>
          %jit3A_686 = arith.constant 0.000000e+00 : f32
          %jit3A_687 = arith.constant 5.000000e+02 : f32
          %max3A_688 = vector.broadcast %jit3A_686 : f32 to vector<16xf32>
          %max3A_689 = arith.maximumf %max3A_688, %sub3A_685 : vector<16xf32>
          %min3A_690 = vector.broadcast %jit3A_687 : f32 to vector<16xf32>
          %min3A_691 = arith.minimumf %min3A_690, %max3A_689 : vector<16xf32>
          %add3A_692 = arith.addf %add3A_684, %min3A_691 : vector<16xf32>
          %xor3A_693 = arith.constant 1 : i32
          %xor3A_694 = vector.broadcast %xor3A_693 : i32 to vector<16xi32>
          %xor3A_695 = arith.xori %iota3A, %xor3A_694 : vector<16xi32>
          %broadcast_in_dim3A_696 = vector.shape_cast %xor3A_695 : vector<16xi32> to vector<16x1xi32>
          %gather3A_697 = vector.shape_cast %broadcast_in_dim3A_696 : vector<16x1xi32> to vector<16xi32>
          %gather3A_698 = tpu.dynamic_gather %add3A_692[%gather3A_697] in [0] : vector<16xf32>, vector<16xi32> -> vector<16xf32>
          %add3A_699 = arith.addf %add3A_692, %gather3A_698 : vector<16xf32>
          %xor3A_700 = arith.constant 2 : i32
          %xor3A_701 = vector.broadcast %xor3A_700 : i32 to vector<16xi32>
          %xor3A_702 = arith.xori %iota3A, %xor3A_701 : vector<16xi32>
          %broadcast_in_dim3A_703 = vector.shape_cast %xor3A_702 : vector<16xi32> to vector<16x1xi32>
          %gather3A_704 = vector.shape_cast %broadcast_in_dim3A_703 : vector<16x1xi32> to vector<16xi32>
          %gather3A_705 = tpu.dynamic_gather %add3A_699[%gather3A_704] in [0] : vector<16xf32>, vector<16xi32> -> vector<16xf32>
          %add3A_706 = arith.addf %add3A_699, %gather3A_705 : vector<16xf32>
          %xor3A_707 = arith.constant 4 : i32
          %xor3A_708 = vector.broadcast %xor3A_707 : i32 to vector<16xi32>
          %xor3A_709 = arith.xori %iota3A, %xor3A_708 : vector<16xi32>
          %broadcast_in_dim3A_710 = vector.shape_cast %xor3A_709 : vector<16xi32> to vector<16x1xi32>
          %gather3A_711 = vector.shape_cast %broadcast_in_dim3A_710 : vector<16x1xi32> to vector<16xi32>
          %gather3A_712 = tpu.dynamic_gather %add3A_706[%gather3A_711] in [0] : vector<16xf32>, vector<16xi32> -> vector<16xf32>
          %add3A_713 = arith.addf %add3A_706, %gather3A_712 : vector<16xf32>
          %xor3A_714 = arith.constant 8 : i32
          %xor3A_715 = vector.broadcast %xor3A_714 : i32 to vector<16xi32>
          %xor3A_716 = arith.xori %iota3A, %xor3A_715 : vector<16xi32>
          %broadcast_in_dim3A_717 = vector.shape_cast %xor3A_716 : vector<16xi32> to vector<16x1xi32>
          %gather3A_718 = vector.shape_cast %broadcast_in_dim3A_717 : vector<16x1xi32> to vector<16xi32>
          %gather3A_719 = tpu.dynamic_gather %add3A_713[%gather3A_718] in [0] : vector<16xf32>, vector<16xi32> -> vector<16xf32>
          %add3A_720 = arith.addf %add3A_713, %gather3A_719 : vector<16xf32>
          %sub3A_721 = arith.subf %add3A_720, %add3A_135 : vector<16xf32>
          %mul3A_722 = arith.constant 3.125000e-02 : f32
          %mul3A_723 = vector.broadcast %mul3A_722 : f32 to vector<16xf32>
          %mul3A_724 = arith.mulf %max3A_194, %mul3A_723 : vector<16xf32>
          %ge3A_725 = arith.constant 1.000000e-01 : f32
          %ge3A_726 = vector.broadcast %ge3A_725 : f32 to vector<16xf32>
          %ge3A_727 = arith.cmpf oge, %sub3A_721, %ge3A_726 : vector<16xf32>
          %le3A_728 = arith.constant -1.000000e-01 : f32
          %le3A_729 = vector.broadcast %le3A_728 : f32 to vector<16xf32>
          %le3A_730 = arith.cmpf ole, %sub3A_721, %le3A_729 : vector<16xf32>
          %neg3A_731 = arith.constant 0.000000e+00 : f32
          %neg3A_732 = vector.broadcast %neg3A_731 : f32 to vector<16xf32>
          %neg3A_733 = arith.subf %neg3A_732, %mul3A_724 : vector<16xf32>
          %jit3A_734 = arith.constant 0.000000e+00 : f32
          %broadcast_in_dim3A_735 = vector.broadcast %jit3A_734 : f32 to vector<16xf32>
          %select_n3A_736 = arith.select %le3A_730, %neg3A_733, %broadcast_in_dim3A_735 : vector<16xi1>, vector<16xf32>
          %select_n3A_737 = arith.select %ge3A_727, %mul3A_724, %select_n3A_736 : vector<16xi1>, vector<16xf32>
          %add3A_738 = arith.addf %add3A_629, %select_n3A_737 : vector<16xf32>
          %sub3A_739 = arith.subf %mul3A_47, %add3A_738 : vector<16xf32>
          %jit3A_740 = arith.constant 0.000000e+00 : f32
          %jit3A_741 = arith.constant 5.000000e+02 : f32
          %max3A_742 = vector.broadcast %jit3A_740 : f32 to vector<16xf32>
          %max3A_743 = arith.maximumf %max3A_742, %sub3A_739 : vector<16xf32>
          %min3A_744 = vector.broadcast %jit3A_741 : f32 to vector<16xf32>
          %min3A_745 = arith.minimumf %min3A_744, %max3A_743 : vector<16xf32>
          %swap3A = arith.index_cast %scan3A_32 : i32 to index
          %swap3A_746 = arith.constant 0 : index
          %swap3A_747 = tpu.vector_load %arg7[%swap3A, %swap3A_746] {strides = array<i32>} : memref<128x128xf32, #tpu.memory_space<vmem>>, vector<1x16xf32>,
          %swap3A_748 = vector.shape_cast %swap3A_747 : vector<1x16xf32> to vector<16xf32>
          %swap3A_749 = vector.shape_cast %min3A_745 : vector<16xf32> to vector<1x16xf32>
          tpu.vector_store %arg7[%swap3A, %swap3A_746], %swap3A_749 {strides = array<i32>} : memref<128x128xf32, #tpu.memory_space<vmem>>, vector<1x16xf32>,
          %sub3A_750 = arith.subf %mul3A_53, %add3A_738 : vector<16xf32>
          %jit3A_751 = arith.constant 0.000000e+00 : f32
          %jit3A_752 = arith.constant 5.000000e+02 : f32
          %max3A_753 = vector.broadcast %jit3A_751 : f32 to vector<16xf32>
          %max3A_754 = arith.maximumf %max3A_753, %sub3A_750 : vector<16xf32>
          %min3A_755 = vector.broadcast %jit3A_752 : f32 to vector<16xf32>
          %min3A_756 = arith.minimumf %min3A_755, %max3A_754 : vector<16xf32>
          %swap3A_757 = arith.index_cast %scan3A_32 : i32 to index
          %swap3A_758 = arith.constant 16 : index
          %swap3A_759 = tpu.vector_load %arg7[%swap3A_757, %swap3A_758] {strides = array<i32>} : memref<128x128xf32, #tpu.memory_space<vmem>>, vector<1x16xf32>,
          %swap3A_760 = vector.shape_cast %swap3A_759 : vector<1x16xf32> to vector<16xf32>
          %swap3A_761 = vector.shape_cast %min3A_756 : vector<16xf32> to vector<1x16xf32>
          tpu.vector_store %arg7[%swap3A_757, %swap3A_758], %swap3A_761 {strides = array<i32>} : memref<128x128xf32, #tpu.memory_space<vmem>>, vector<1x16xf32>,
          %sub3A_762 = arith.subf %mul3A_59, %add3A_738 : vector<16xf32>
          %jit3A_763 = arith.constant 0.000000e+00 : f32
          %jit3A_764 = arith.constant 5.000000e+02 : f32
          %max3A_765 = vector.broadcast %jit3A_763 : f32 to vector<16xf32>
          %max3A_766 = arith.maximumf %max3A_765, %sub3A_762 : vector<16xf32>
          %min3A_767 = vector.broadcast %jit3A_764 : f32 to vector<16xf32>
          %min3A_768 = arith.minimumf %min3A_767, %max3A_766 : vector<16xf32>
          %swap3A_769 = arith.index_cast %scan3A_32 : i32 to index
          %swap3A_770 = arith.constant 32 : index
          %swap3A_771 = tpu.vector_load %arg7[%swap3A_769, %swap3A_770] {strides = array<i32>} : memref<128x128xf32, #tpu.memory_space<vmem>>, vector<1x16xf32>,
          %swap3A_772 = vector.shape_cast %swap3A_771 : vector<1x16xf32> to vector<16xf32>
          %swap3A_773 = vector.shape_cast %min3A_768 : vector<16xf32> to vector<1x16xf32>
          tpu.vector_store %arg7[%swap3A_769, %swap3A_770], %swap3A_773 {strides = array<i32>} : memref<128x128xf32, #tpu.memory_space<vmem>>, vector<1x16xf32>,
          %sub3A_774 = arith.subf %mul3A_65, %add3A_738 : vector<16xf32>
          %jit3A_775 = arith.constant 0.000000e+00 : f32
          %jit3A_776 = arith.constant 5.000000e+02 : f32
          %max3A_777 = vector.broadcast %jit3A_775 : f32 to vector<16xf32>
          %max3A_778 = arith.maximumf %max3A_777, %sub3A_774 : vector<16xf32>
          %min3A_779 = vector.broadcast %jit3A_776 : f32 to vector<16xf32>
          %min3A_780 = arith.minimumf %min3A_779, %max3A_778 : vector<16xf32>
          %swap3A_781 = arith.index_cast %scan3A_32 : i32 to index
          %swap3A_782 = arith.constant 48 : index
          %swap3A_783 = tpu.vector_load %arg7[%swap3A_781, %swap3A_782] {strides = array<i32>} : memref<128x128xf32, #tpu.memory_space<vmem>>, vector<1x16xf32>,
          %swap3A_784 = vector.shape_cast %swap3A_783 : vector<1x16xf32> to vector<16xf32>
          %swap3A_785 = vector.shape_cast %min3A_780 : vector<16xf32> to vector<1x16xf32>
          tpu.vector_store %arg7[%swap3A_781, %swap3A_782], %swap3A_785 {strides = array<i32>} : memref<128x128xf32, #tpu.memory_space<vmem>>, vector<1x16xf32>,
          %sub3A_786 = arith.subf %mul3A_71, %add3A_738 : vector<16xf32>
          %jit3A_787 = arith.constant 0.000000e+00 : f32
          %jit3A_788 = arith.constant 5.000000e+02 : f32
          %max3A_789 = vector.broadcast %jit3A_787 : f32 to vector<16xf32>
          %max3A_790 = arith.maximumf %max3A_789, %sub3A_786 : vector<16xf32>
          %min3A_791 = vector.broadcast %jit3A_788 : f32 to vector<16xf32>
          %min3A_792 = arith.minimumf %min3A_791, %max3A_790 : vector<16xf32>
          %swap3A_793 = arith.index_cast %scan3A_32 : i32 to index
          %swap3A_794 = arith.constant 64 : index
          %swap3A_795 = tpu.vector_load %arg7[%swap3A_793, %swap3A_794] {strides = array<i32>} : memref<128x128xf32, #tpu.memory_space<vmem>>, vector<1x16xf32>,
          %swap3A_796 = vector.shape_cast %swap3A_795 : vector<1x16xf32> to vector<16xf32>
          %swap3A_797 = vector.shape_cast %min3A_792 : vector<16xf32> to vector<1x16xf32>
          tpu.vector_store %arg7[%swap3A_793, %swap3A_794], %swap3A_797 {strides = array<i32>} : memref<128x128xf32, #tpu.memory_space<vmem>>, vector<1x16xf32>,
          %sub3A_798 = arith.subf %mul3A_77, %add3A_738 : vector<16xf32>
          %jit3A_799 = arith.constant 0.000000e+00 : f32
          %jit3A_800 = arith.constant 5.000000e+02 : f32
          %max3A_801 = vector.broadcast %jit3A_799 : f32 to vector<16xf32>
          %max3A_802 = arith.maximumf %max3A_801, %sub3A_798 : vector<16xf32>
          %min3A_803 = vector.broadcast %jit3A_800 : f32 to vector<16xf32>
          %min3A_804 = arith.minimumf %min3A_803, %max3A_802 : vector<16xf32>
          %swap3A_805 = arith.index_cast %scan3A_32 : i32 to index
          %swap3A_806 = arith.constant 80 : index
          %swap3A_807 = tpu.vector_load %arg7[%swap3A_805, %swap3A_806] {strides = array<i32>} : memref<128x128xf32, #tpu.memory_space<vmem>>, vector<1x16xf32>,
          %swap3A_808 = vector.shape_cast %swap3A_807 : vector<1x16xf32> to vector<16xf32>
          %swap3A_809 = vector.shape_cast %min3A_804 : vector<16xf32> to vector<1x16xf32>
          tpu.vector_store %arg7[%swap3A_805, %swap3A_806], %swap3A_809 {strides = array<i32>} : memref<128x128xf32, #tpu.memory_space<vmem>>, vector<1x16xf32>,
          %sub3A_810 = arith.subf %mul3A_83, %add3A_738 : vector<16xf32>
          %jit3A_811 = arith.constant 0.000000e+00 : f32
          %jit3A_812 = arith.constant 5.000000e+02 : f32
          %max3A_813 = vector.broadcast %jit3A_811 : f32 to vector<16xf32>
          %max3A_814 = arith.maximumf %max3A_813, %sub3A_810 : vector<16xf32>
          %min3A_815 = vector.broadcast %jit3A_812 : f32 to vector<16xf32>
          %min3A_816 = arith.minimumf %min3A_815, %max3A_814 : vector<16xf32>
          %swap3A_817 = arith.index_cast %scan3A_32 : i32 to index
          %swap3A_818 = arith.constant 96 : index
          %swap3A_819 = tpu.vector_load %arg7[%swap3A_817, %swap3A_818] {strides = array<i32>} : memref<128x128xf32, #tpu.memory_space<vmem>>, vector<1x16xf32>,
          %swap3A_820 = vector.shape_cast %swap3A_819 : vector<1x16xf32> to vector<16xf32>
          %swap3A_821 = vector.shape_cast %min3A_816 : vector<16xf32> to vector<1x16xf32>
          tpu.vector_store %arg7[%swap3A_817, %swap3A_818], %swap3A_821 {strides = array<i32>} : memref<128x128xf32, #tpu.memory_space<vmem>>, vector<1x16xf32>,
          %sub3A_822 = arith.subf %mul3A_89, %add3A_738 : vector<16xf32>
          %jit3A_823 = arith.constant 0.000000e+00 : f32
          %jit3A_824 = arith.constant 5.000000e+02 : f32
          %max3A_825 = vector.broadcast %jit3A_823 : f32 to vector<16xf32>
          %max3A_826 = arith.maximumf %max3A_825, %sub3A_822 : vector<16xf32>
          %min3A_827 = vector.broadcast %jit3A_824 : f32 to vector<16xf32>
          %min3A_828 = arith.minimumf %min3A_827, %max3A_826 : vector<16xf32>
          %swap3A_829 = arith.index_cast %scan3A_32 : i32 to index
          %swap3A_830 = arith.constant 112 : index
          %swap3A_831 = tpu.vector_load %arg7[%swap3A_829, %swap3A_830] {strides = array<i32>} : memref<128x128xf32, #tpu.memory_space<vmem>>, vector<1x16xf32>,
          %swap3A_832 = vector.shape_cast %swap3A_831 : vector<1x16xf32> to vector<16xf32>
          %swap3A_833 = vector.shape_cast %min3A_828 : vector<16xf32> to vector<1x16xf32>
          tpu.vector_store %arg7[%swap3A_829, %swap3A_830], %swap3A_833 {strides = array<i32>} : memref<128x128xf32, #tpu.memory_space<vmem>>, vector<1x16xf32>,
          %scan3A_834 = arith.constant 0 : i32
          scf.yield %scan3A_834 : i32
        }
        %scan3A_30 = arith.constant 128 : i32
        "tpu.region"() ({
          %run_scoped3A = tpu.sem_alloc : memref<!tpu.dma_semaphore, #tpu.memory_space<semaphore_mem>>
          %dma_start3A = arith.constant 0 : i32
          %dma_start3A_32 = tpu.memref_slice %arg6[%scan3A_11, %mul3A_23, %dma_start3A] : memref<64x4096x128xf32, #tpu.memory_space<hbm>> -> memref<1x128x128xf32, #tpu.memory_space<hbm>>
          %dma_start3A_33 = tpu.memref_squeeze %dma_start3A_32 : memref<1x128x128xf32, #tpu.memory_space<hbm>> -> memref<128x128xf32, #tpu.memory_space<hbm>>
          %dma_start3A_34 = arith.constant 0 : i32
          %dma_start3A_35 = tpu.memref_slice %arg6[%scan3A_11, %mul3A_23, %dma_start3A_34] : memref<64x4096x128xf32, #tpu.memory_space<hbm>> -> memref<1x128x128xf32, #tpu.memory_space<hbm>>
          %dma_start3A_36 = tpu.memref_squeeze %dma_start3A_35 : memref<1x128x128xf32, #tpu.memory_space<hbm>> -> memref<128x128xf32, #tpu.memory_space<hbm>>
          tpu.enqueue_dma source(%arg7 : memref<128x128xf32, #tpu.memory_space<vmem>>) target(%dma_start3A_36 : memref<128x128xf32, #tpu.memory_space<hbm>>) target_semaphore(%run_scoped3A : memref<!tpu.dma_semaphore, #tpu.memory_space<semaphore_mem>>)
          %dma_wait3A = arith.constant 0 : i32
          %dma_wait3A_37 = tpu.memref_slice %arg6[%scan3A_11, %mul3A_23, %dma_wait3A] : memref<64x4096x128xf32, #tpu.memory_space<hbm>> -> memref<1x128x128xf32, #tpu.memory_space<hbm>>
          %dma_wait3A_38 = tpu.memref_squeeze %dma_wait3A_37 : memref<1x128x128xf32, #tpu.memory_space<hbm>> -> memref<128x128xf32, #tpu.memory_space<hbm>>
          %dma_wait3A_39 = arith.constant 0 : i32
          %dma_wait3A_40 = tpu.memref_slice %arg6[%scan3A_11, %mul3A_23, %dma_wait3A_39] : memref<64x4096x128xf32, #tpu.memory_space<hbm>> -> memref<1x128x128xf32, #tpu.memory_space<hbm>>
          %dma_wait3A_41 = tpu.memref_squeeze %dma_wait3A_40 : memref<1x128x128xf32, #tpu.memory_space<hbm>> -> memref<128x128xf32, #tpu.memory_space<hbm>>
          tpu.wait_dma2 semaphore(%run_scoped3A : memref<!tpu.dma_semaphore, #tpu.memory_space<semaphore_mem>>) src(%arg7 : memref<128x128xf32, #tpu.memory_space<vmem>>) dst(%dma_wait3A_41 : memref<128x128xf32, #tpu.memory_space<hbm>>)
          tpu.yield
        }) : () -> ()
        %cond3A_31 = arith.constant 0 : i32
        scf.yield %cond3A_31 : i32
      } else {
        %mul3A_22 = arith.constant 128 : i32
        %mul3A_23 = arith.muli %add3A, %mul3A_22 : i32
        "tpu.region"() ({
          %run_scoped3A = tpu.sem_alloc : memref<!tpu.dma_semaphore, #tpu.memory_space<semaphore_mem>>
          %dma_start3A = arith.constant 0 : i32
          %dma_start3A_32 = tpu.memref_slice %arg2[%scan3A_11, %mul3A_23, %dma_start3A] : memref<64x4096x128xf32, #tpu.memory_space<hbm>> -> memref<1x128x128xf32, #tpu.memory_space<hbm>>
          %dma_start3A_33 = tpu.memref_squeeze %dma_start3A_32 : memref<1x128x128xf32, #tpu.memory_space<hbm>> -> memref<128x128xf32, #tpu.memory_space<hbm>>
          %dma_start3A_34 = arith.constant 0 : i32
          %dma_start3A_35 = tpu.memref_slice %arg2[%scan3A_11, %mul3A_23, %dma_start3A_34] : memref<64x4096x128xf32, #tpu.memory_space<hbm>> -> memref<1x128x128xf32, #tpu.memory_space<hbm>>
          %dma_start3A_36 = tpu.memref_squeeze %dma_start3A_35 : memref<1x128x128xf32, #tpu.memory_space<hbm>> -> memref<128x128xf32, #tpu.memory_space<hbm>>
          tpu.enqueue_dma source(%dma_start3A_36 : memref<128x128xf32, #tpu.memory_space<hbm>>) target(%arg7 : memref<128x128xf32, #tpu.memory_space<vmem>>) target_semaphore(%run_scoped3A : memref<!tpu.dma_semaphore, #tpu.memory_space<semaphore_mem>>)
          %dma_wait3A = arith.constant 0 : i32
          %dma_wait3A_37 = tpu.memref_slice %arg2[%scan3A_11, %mul3A_23, %dma_wait3A] : memref<64x4096x128xf32, #tpu.memory_space<hbm>> -> memref<1x128x128xf32, #tpu.memory_space<hbm>>
          %dma_wait3A_38 = tpu.memref_squeeze %dma_wait3A_37 : memref<1x128x128xf32, #tpu.memory_space<hbm>> -> memref<128x128xf32, #tpu.memory_space<hbm>>
          %dma_wait3A_39 = arith.constant 0 : i32
          %dma_wait3A_40 = tpu.memref_slice %arg2[%scan3A_11, %mul3A_23, %dma_wait3A_39] : memref<64x4096x128xf32, #tpu.memory_space<hbm>> -> memref<1x128x128xf32, #tpu.memory_space<hbm>>
          %dma_wait3A_41 = tpu.memref_squeeze %dma_wait3A_40 : memref<1x128x128xf32, #tpu.memory_space<hbm>> -> memref<128x128xf32, #tpu.memory_space<hbm>>
          tpu.wait_dma2 semaphore(%run_scoped3A : memref<!tpu.dma_semaphore, #tpu.memory_space<semaphore_mem>>) src(%dma_wait3A_41 : memref<128x128xf32, #tpu.memory_space<hbm>>) dst(%arg7 : memref<128x128xf32, #tpu.memory_space<vmem>>)
          tpu.yield
        }) : () -> ()
        %scan3A_24 = arith.constant 0 : i32
        %scan3A_25 = arith.constant 0 : i32
        %scan3A_26 = arith.constant 128 : i32
        %scan3A_27 = arith.addi %scan3A_25, %scan3A_26 : i32
        %scan3A_28 = arith.constant 1 : i32
        %scan3A_29 = scf.for %scan3A_32 = %scan3A_25 to %scan3A_27 step %scan3A_28 iter_args(%scan3A_33 = %scan3A_24) -> (i32)  : i32 {
          %get3A_34 = arith.index_cast %scan3A_32 : i32 to index
          %get3A_35 = arith.constant 0 : index
          %get3A_36 = tpu.vector_load %arg7[%get3A_34, %get3A_35] {strides = array<i32>} : memref<128x128xf32, #tpu.memory_space<vmem>>, vector<1x16xf32>,
          %get3A_37 = vector.shape_cast %get3A_36 : vector<1x16xf32> to vector<16xf32>
          %max3A = arith.constant 0.000000e+00 : f32
          %max3A_38 = vector.broadcast %max3A : f32 to vector<16xf32>
          %max3A_39 = arith.maximumf %get3A_37, %max3A_38 : vector<16xf32>
          %swap3A = arith.index_cast %scan3A_32 : i32 to index
          %swap3A_40 = arith.constant 0 : index
          %swap3A_41 = tpu.vector_load %arg7[%swap3A, %swap3A_40] {strides = array<i32>} : memref<128x128xf32, #tpu.memory_space<vmem>>, vector<1x16xf32>,
          %swap3A_42 = vector.shape_cast %swap3A_41 : vector<1x16xf32> to vector<16xf32>
          %swap3A_43 = vector.shape_cast %max3A_39 : vector<16xf32> to vector<1x16xf32>
          tpu.vector_store %arg7[%swap3A, %swap3A_40], %swap3A_43 {strides = array<i32>} : memref<128x128xf32, #tpu.memory_space<vmem>>, vector<1x16xf32>,
          %get3A_44 = arith.index_cast %scan3A_32 : i32 to index
          %get3A_45 = arith.constant 16 : index
          %get3A_46 = tpu.vector_load %arg7[%get3A_44, %get3A_45] {strides = array<i32>} : memref<128x128xf32, #tpu.memory_space<vmem>>, vector<1x16xf32>,
          %get3A_47 = vector.shape_cast %get3A_46 : vector<1x16xf32> to vector<16xf32>
          %max3A_48 = arith.constant 0.000000e+00 : f32
          %max3A_49 = vector.broadcast %max3A_48 : f32 to vector<16xf32>
          %max3A_50 = arith.maximumf %get3A_47, %max3A_49 : vector<16xf32>
          %swap3A_51 = arith.index_cast %scan3A_32 : i32 to index
          %swap3A_52 = arith.constant 16 : index
          %swap3A_53 = tpu.vector_load %arg7[%swap3A_51, %swap3A_52] {strides = array<i32>} : memref<128x128xf32, #tpu.memory_space<vmem>>, vector<1x16xf32>,
          %swap3A_54 = vector.shape_cast %swap3A_53 : vector<1x16xf32> to vector<16xf32>
          %swap3A_55 = vector.shape_cast %max3A_50 : vector<16xf32> to vector<1x16xf32>
          tpu.vector_store %arg7[%swap3A_51, %swap3A_52], %swap3A_55 {strides = array<i32>} : memref<128x128xf32, #tpu.memory_space<vmem>>, vector<1x16xf32>,
          %get3A_56 = arith.index_cast %scan3A_32 : i32 to index
          %get3A_57 = arith.constant 32 : index
          %get3A_58 = tpu.vector_load %arg7[%get3A_56, %get3A_57] {strides = array<i32>} : memref<128x128xf32, #tpu.memory_space<vmem>>, vector<1x16xf32>,
          %get3A_59 = vector.shape_cast %get3A_58 : vector<1x16xf32> to vector<16xf32>
          %max3A_60 = arith.constant 0.000000e+00 : f32
          %max3A_61 = vector.broadcast %max3A_60 : f32 to vector<16xf32>
          %max3A_62 = arith.maximumf %get3A_59, %max3A_61 : vector<16xf32>
          %swap3A_63 = arith.index_cast %scan3A_32 : i32 to index
          %swap3A_64 = arith.constant 32 : index
          %swap3A_65 = tpu.vector_load %arg7[%swap3A_63, %swap3A_64] {strides = array<i32>} : memref<128x128xf32, #tpu.memory_space<vmem>>, vector<1x16xf32>,
          %swap3A_66 = vector.shape_cast %swap3A_65 : vector<1x16xf32> to vector<16xf32>
          %swap3A_67 = vector.shape_cast %max3A_62 : vector<16xf32> to vector<1x16xf32>
          tpu.vector_store %arg7[%swap3A_63, %swap3A_64], %swap3A_67 {strides = array<i32>} : memref<128x128xf32, #tpu.memory_space<vmem>>, vector<1x16xf32>,
          %get3A_68 = arith.index_cast %scan3A_32 : i32 to index
          %get3A_69 = arith.constant 48 : index
          %get3A_70 = tpu.vector_load %arg7[%get3A_68, %get3A_69] {strides = array<i32>} : memref<128x128xf32, #tpu.memory_space<vmem>>, vector<1x16xf32>,
          %get3A_71 = vector.shape_cast %get3A_70 : vector<1x16xf32> to vector<16xf32>
          %max3A_72 = arith.constant 0.000000e+00 : f32
          %max3A_73 = vector.broadcast %max3A_72 : f32 to vector<16xf32>
          %max3A_74 = arith.maximumf %get3A_71, %max3A_73 : vector<16xf32>
          %swap3A_75 = arith.index_cast %scan3A_32 : i32 to index
          %swap3A_76 = arith.constant 48 : index
          %swap3A_77 = tpu.vector_load %arg7[%swap3A_75, %swap3A_76] {strides = array<i32>} : memref<128x128xf32, #tpu.memory_space<vmem>>, vector<1x16xf32>,
          %swap3A_78 = vector.shape_cast %swap3A_77 : vector<1x16xf32> to vector<16xf32>
          %swap3A_79 = vector.shape_cast %max3A_74 : vector<16xf32> to vector<1x16xf32>
          tpu.vector_store %arg7[%swap3A_75, %swap3A_76], %swap3A_79 {strides = array<i32>} : memref<128x128xf32, #tpu.memory_space<vmem>>, vector<1x16xf32>,
          %get3A_80 = arith.index_cast %scan3A_32 : i32 to index
          %get3A_81 = arith.constant 64 : index
          %get3A_82 = tpu.vector_load %arg7[%get3A_80, %get3A_81] {strides = array<i32>} : memref<128x128xf32, #tpu.memory_space<vmem>>, vector<1x16xf32>,
          %get3A_83 = vector.shape_cast %get3A_82 : vector<1x16xf32> to vector<16xf32>
          %max3A_84 = arith.constant 0.000000e+00 : f32
          %max3A_85 = vector.broadcast %max3A_84 : f32 to vector<16xf32>
          %max3A_86 = arith.maximumf %get3A_83, %max3A_85 : vector<16xf32>
          %swap3A_87 = arith.index_cast %scan3A_32 : i32 to index
          %swap3A_88 = arith.constant 64 : index
          %swap3A_89 = tpu.vector_load %arg7[%swap3A_87, %swap3A_88] {strides = array<i32>} : memref<128x128xf32, #tpu.memory_space<vmem>>, vector<1x16xf32>,
          %swap3A_90 = vector.shape_cast %swap3A_89 : vector<1x16xf32> to vector<16xf32>
          %swap3A_91 = vector.shape_cast %max3A_86 : vector<16xf32> to vector<1x16xf32>
          tpu.vector_store %arg7[%swap3A_87, %swap3A_88], %swap3A_91 {strides = array<i32>} : memref<128x128xf32, #tpu.memory_space<vmem>>, vector<1x16xf32>,
          %get3A_92 = arith.index_cast %scan3A_32 : i32 to index
          %get3A_93 = arith.constant 80 : index
          %get3A_94 = tpu.vector_load %arg7[%get3A_92, %get3A_93] {strides = array<i32>} : memref<128x128xf32, #tpu.memory_space<vmem>>, vector<1x16xf32>,
          %get3A_95 = vector.shape_cast %get3A_94 : vector<1x16xf32> to vector<16xf32>
          %max3A_96 = arith.constant 0.000000e+00 : f32
          %max3A_97 = vector.broadcast %max3A_96 : f32 to vector<16xf32>
          %max3A_98 = arith.maximumf %get3A_95, %max3A_97 : vector<16xf32>
          %swap3A_99 = arith.index_cast %scan3A_32 : i32 to index
          %swap3A_100 = arith.constant 80 : index
          %swap3A_101 = tpu.vector_load %arg7[%swap3A_99, %swap3A_100] {strides = array<i32>} : memref<128x128xf32, #tpu.memory_space<vmem>>, vector<1x16xf32>,
          %swap3A_102 = vector.shape_cast %swap3A_101 : vector<1x16xf32> to vector<16xf32>
          %swap3A_103 = vector.shape_cast %max3A_98 : vector<16xf32> to vector<1x16xf32>
          tpu.vector_store %arg7[%swap3A_99, %swap3A_100], %swap3A_103 {strides = array<i32>} : memref<128x128xf32, #tpu.memory_space<vmem>>, vector<1x16xf32>,
          %get3A_104 = arith.index_cast %scan3A_32 : i32 to index
          %get3A_105 = arith.constant 96 : index
          %get3A_106 = tpu.vector_load %arg7[%get3A_104, %get3A_105] {strides = array<i32>} : memref<128x128xf32, #tpu.memory_space<vmem>>, vector<1x16xf32>,
          %get3A_107 = vector.shape_cast %get3A_106 : vector<1x16xf32> to vector<16xf32>
          %max3A_108 = arith.constant 0.000000e+00 : f32
          %max3A_109 = vector.broadcast %max3A_108 : f32 to vector<16xf32>
          %max3A_110 = arith.maximumf %get3A_107, %max3A_109 : vector<16xf32>
          %swap3A_111 = arith.index_cast %scan3A_32 : i32 to index
          %swap3A_112 = arith.constant 96 : index
          %swap3A_113 = tpu.vector_load %arg7[%swap3A_111, %swap3A_112] {strides = array<i32>} : memref<128x128xf32, #tpu.memory_space<vmem>>, vector<1x16xf32>,
          %swap3A_114 = vector.shape_cast %swap3A_113 : vector<1x16xf32> to vector<16xf32>
          %swap3A_115 = vector.shape_cast %max3A_110 : vector<16xf32> to vector<1x16xf32>
          tpu.vector_store %arg7[%swap3A_111, %swap3A_112], %swap3A_115 {strides = array<i32>} : memref<128x128xf32, #tpu.memory_space<vmem>>, vector<1x16xf32>,
          %get3A_116 = arith.index_cast %scan3A_32 : i32 to index
          %get3A_117 = arith.constant 112 : index
          %get3A_118 = tpu.vector_load %arg7[%get3A_116, %get3A_117] {strides = array<i32>} : memref<128x128xf32, #tpu.memory_space<vmem>>, vector<1x16xf32>,
          %get3A_119 = vector.shape_cast %get3A_118 : vector<1x16xf32> to vector<16xf32>
          %max3A_120 = arith.constant 0.000000e+00 : f32
          %max3A_121 = vector.broadcast %max3A_120 : f32 to vector<16xf32>
          %max3A_122 = arith.maximumf %get3A_119, %max3A_121 : vector<16xf32>
          %swap3A_123 = arith.index_cast %scan3A_32 : i32 to index
          %swap3A_124 = arith.constant 112 : index
          %swap3A_125 = tpu.vector_load %arg7[%swap3A_123, %swap3A_124] {strides = array<i32>} : memref<128x128xf32, #tpu.memory_space<vmem>>, vector<1x16xf32>,
          %swap3A_126 = vector.shape_cast %swap3A_125 : vector<1x16xf32> to vector<16xf32>
          %swap3A_127 = vector.shape_cast %max3A_122 : vector<16xf32> to vector<1x16xf32>
          tpu.vector_store %arg7[%swap3A_123, %swap3A_124], %swap3A_127 {strides = array<i32>} : memref<128x128xf32, #tpu.memory_space<vmem>>, vector<1x16xf32>,
          %scan3A_128 = arith.constant 0 : i32
          scf.yield %scan3A_128 : i32
        }
        %scan3A_30 = arith.constant 128 : i32
        "tpu.region"() ({
          %run_scoped3A = tpu.sem_alloc : memref<!tpu.dma_semaphore, #tpu.memory_space<semaphore_mem>>
          %dma_start3A = arith.constant 0 : i32
          %dma_start3A_32 = tpu.memref_slice %arg6[%scan3A_11, %mul3A_23, %dma_start3A] : memref<64x4096x128xf32, #tpu.memory_space<hbm>> -> memref<1x128x128xf32, #tpu.memory_space<hbm>>
          %dma_start3A_33 = tpu.memref_squeeze %dma_start3A_32 : memref<1x128x128xf32, #tpu.memory_space<hbm>> -> memref<128x128xf32, #tpu.memory_space<hbm>>
          %dma_start3A_34 = arith.constant 0 : i32
          %dma_start3A_35 = tpu.memref_slice %arg6[%scan3A_11, %mul3A_23, %dma_start3A_34] : memref<64x4096x128xf32, #tpu.memory_space<hbm>> -> memref<1x128x128xf32, #tpu.memory_space<hbm>>
          %dma_start3A_36 = tpu.memref_squeeze %dma_start3A_35 : memref<1x128x128xf32, #tpu.memory_space<hbm>> -> memref<128x128xf32, #tpu.memory_space<hbm>>
          tpu.enqueue_dma source(%arg7 : memref<128x128xf32, #tpu.memory_space<vmem>>) target(%dma_start3A_36 : memref<128x128xf32, #tpu.memory_space<hbm>>) target_semaphore(%run_scoped3A : memref<!tpu.dma_semaphore, #tpu.memory_space<semaphore_mem>>)
          %dma_wait3A = arith.constant 0 : i32
          %dma_wait3A_37 = tpu.memref_slice %arg6[%scan3A_11, %mul3A_23, %dma_wait3A] : memref<64x4096x128xf32, #tpu.memory_space<hbm>> -> memref<1x128x128xf32, #tpu.memory_space<hbm>>
          %dma_wait3A_38 = tpu.memref_squeeze %dma_wait3A_37 : memref<1x128x128xf32, #tpu.memory_space<hbm>> -> memref<128x128xf32, #tpu.memory_space<hbm>>
          %dma_wait3A_39 = arith.constant 0 : i32
          %dma_wait3A_40 = tpu.memref_slice %arg6[%scan3A_11, %mul3A_23, %dma_wait3A_39] : memref<64x4096x128xf32, #tpu.memory_space<hbm>> -> memref<1x128x128xf32, #tpu.memory_space<hbm>>
          %dma_wait3A_41 = tpu.memref_squeeze %dma_wait3A_40 : memref<1x128x128xf32, #tpu.memory_space<hbm>> -> memref<128x128xf32, #tpu.memory_space<hbm>>
          tpu.wait_dma2 semaphore(%run_scoped3A : memref<!tpu.dma_semaphore, #tpu.memory_space<semaphore_mem>>) src(%arg7 : memref<128x128xf32, #tpu.memory_space<vmem>>) dst(%dma_wait3A_41 : memref<128x128xf32, #tpu.memory_space<hbm>>)
          tpu.yield
        }) : () -> ()
        %cond3A_31 = arith.constant 0 : i32
        scf.yield %cond3A_31 : i32
      }
      %scan3A_21 = arith.constant 0 : i32
      scf.yield %scan3A_21 : i32
    }
    %scan3A_10 = arith.constant 64 : i32
    return
  }
}

</mosaic_0001>

<sc_bundles>
// kernel: _run.3.cloned.1.call-start
scs
__scs_entry_jumppad:
0x0: {  	(pc) =	sbr.rel $0x88, $3  }
0x1: {  	(tag) =	ssettag $0x0;
	lr =	simm.s32 $0x1  }
0x2: {  	[smem:$0x3F9D] =	sst lr;
	_ =	strace $0xD0000000  }
0x3: {  	_ = 	snop  }
0x4: {  	_ = 	snop  }
0x5: {  	_ = 	snop  }
0x6: {  	_ = 	snop  }
0x7: {  	_ = 	snop  }
__scs_overlays_trampoline_lowered:
0x8: {  	[smem:$0x3FAC] =	sst s0  }
0x9: {  	[smem:$0x3FAD] =	sst s1  }
0xa: {  	[smem:$0x3FAE] =	sst s2  }
0xb: {  	[smem:$0x3FAF] =	sst s3  }
0xc: {  	[smem:$0x3FB0] =	sst s4  }
0xd: {  	[smem:$0x3FB1] =	sst s5  }
0xe: {  	[smem:$0x3FB2] =	sst s6  }
0xf: {  	[smem:$0x3FB3] =	sst s7  }
0x10: {  	[smem:$0x3FB4] =	sst s8  }
0x11: {  	[smem:$0x3FB5] =	sst s9;
	s0 =	simm.s32 @!p0 $0x0  }
0x12: {  	s1 =	sld [smem:$0x3F9B];
	s0 =	simm.s32 @p0 $0x1  }
0x13: {  	[smem:$0x3FB6] =	sst s0;
	s0 =	simm.s32 @!p1 $0x0  }
0x14: {  	s2 =	sld [smem:$0x3F9A];
	s0 =	simm.s32 @p1 $0x1  }
0x15: {  	[smem:$0x3FB7] =	sst s0;
	s0 =	simm.s32 @!p2 $0x0  }
0x16: {  	s3 =	sld [smem:$0x3FDB];
	s0 =	simm.s32 @p2 $0x1  }
0x17: {  	s4 =	simm.s32 $0x1BF5;
	[smem:$0x3FB9] =	sst s0  }
0x18: {  	s0 =	sld [smem:$0x3F9C];
	_ =	swait.ge [sflag:s4], $0x0  }
0x19: {  	s7 =	sld [smem:$0x3F9D]  }
0x1a: {  	s8 =	sadd.s32 $0xFFFFE003, lr  }
0x1b: {  	s9 =	sadd.s32 $0xFFFFFEF7, lr;
	s5 =	simm.s32 $0xFFFFFFFF;
	p2 =	slt.u32 s8, $0xFFFFF086  }
0x1c: {  	p1 =	slt.u32 s9, $0xF7A;
	s5 =	simm.s32 @!p2 $0x0  }
0x1d: {  	s5 =	simm.s32 @p1 $0x1;
	p0 =	seq.s32 s7, s2  }
0x1e: {  	s7 =	smul.u32 @!p0 $0xF7A, s2;
	p2 =	seq.s32 @!p0 s5, $0x0  }
0x1f: {  	s9 =	smul.u32 $0xF7A, s1;
	s8 =	simm.s32 @!p0 $0x1BF5;
	p2 =	por !p2, p0  }
0x20: {  	[sflag:s8] =	ssyncset.s32 @!p0 $0xFFFFF086;
	s6 =	sadd.s32 @!p0 s3, s7;
	s7 =	simm.s32 @!p0 $0x108  }
0x21: {  	s3 =	sadd.s32 s3, s9;
	s6 =	sadd.s32 @!p0 $0x88, s6;
	s7 =	simm.s32 @p2 $0x1082  }
0x22: {  	[simem:s7], [sflag:s8] =	dma.local @!p0 [hbm:s6], $0xF7A  }
0x23: {  	s9 =	sor.u32 $0xD0000000, s2;
	s6 =	simm.s32 $0x108;
	_ =	swait.ge @!p0 [sflag:s8], $0x0  }
0x24: {  	s3 =	sadd.s32 $0x88, s3;
	s6 =	simm.s32 @!p1 $0x1082;
	[sflag:s4] =	ssyncset.s32 $0xFFFFF086  }
0x25: {  	[simem:s6], [sflag:s4] =	dma.local [hbm:s3], $0xF7A  }
0x26: {  	[smem:$0x3F9D] =	sst s1;
	(tag) =	ssettag s2;
	_ =	strace s9  }
0x27: {  	s1 =	sld [smem:$0x3FAD]  }
0x28: {  	s2 =	sld [smem:$0x3FAE]  }
0x29: {  	s4 =	sld [smem:$0x3FB0]  }
0x2a: {  	p0 =	seq.s32 s5, $0x0;
	s5 =	sld [smem:$0x3FB1]  }
0x2b: {  	s6 =	sld [smem:$0x3FB2]  }
0x2c: {  	s7 =	sld [smem:$0x3FB3]  }
0x2d: {  	s3 =	simm.s32 $0x108;
	s8 =	sld [smem:$0x3FB4]  }
0x2e: {  	s3 =	simm.s32 @!p0 $0x1082;
	s9 =	sld [smem:$0x3FB5]  }
0x2f: {  	lr =	sadd.s32 s0, s3;
	s0 =	sld [smem:$0x3FAC]  }
0x30: {  	s3 =	sld [smem:$0x3FAF]  }
0x31: {  	[smem:$0x3FB8] =	sst s10  }
0x32: {  	s10 =	sld [smem:$0x3FB6];
	_ =	sdelay $0x3  }
0x33: {  	p0 =	seq.s32 s10, $0x1;
	s10 =	sld [smem:$0x3FB8];
	_ =	sdelay $0x3  }
0x34: {  	[smem:$0x3FB8] =	sst s10  }
0x35: {  	s10 =	sld [smem:$0x3FB7];
	_ =	sdelay $0x3  }
0x36: {  	p1 =	seq.s32 s10, $0x1;
	s10 =	sld [smem:$0x3FB8];
	_ =	sdelay $0x3  }
0x37: {  	[smem:$0x3FB8] =	sst s10  }
0x38: {  	s10 =	sld [smem:$0x3FB9]  }
0x39: {  	_ = 	snop;
	(pc) =	sbr.ind lr, $3  }
0x3a: {  	_ = 	snop  }
0x3b: {  	_ = 	snop  }
0x3c: {  	p2 =	seq.s32 s10, $0x1;
	s10 =	sld [smem:$0x3FB8]  }
0x3d: {  	_ =	shalt  }
0x3e: {  	_ =	shalt  }
0x3f: {  	_ =	shalt  }
0x40: {  	_ =	shalt  }
0x41: {  	_ =	shalt  }
0x42: {  	_ =	shalt  }
0x43: {  	_ =	shalt  }
0x44: {  	_ =	shalt  }
0x45: {  	_ =	shalt  }
0x46: {  	_ =	shalt  }
0x47: {  	_ =	shalt  }
0x48: {  	_ =	shalt  }
0x49: {  	_ =	shalt  }
0x4a: {  	_ =	shalt  }
0x4b: {  	_ =	shalt  }
0x4c: {  	_ =	shalt  }
0x4d: {  	_ =	shalt  }
0x4e: {  	_ =	shalt  }
0x4f: {  	_ =	shalt  }
0x50: {  	_ =	shalt  }
0x51: {  	_ =	shalt  }
0x52: {  	_ =	shalt  }
0x53: {  	_ =	shalt  }
0x54: {  	_ =	shalt  }
0x55: {  	_ =	shalt  }
0x56: {  	_ =	shalt  }
0x57: {  	_ =	shalt  }
0x58: {  	_ =	shalt  }
0x59: {  	_ =	shalt  }
0x5a: {  	_ =	shalt  }
0x5b: {  	_ =	shalt  }
0x5c: {  	_ =	shalt  }
0x5d: {  	_ =	shalt  }
0x5e: {  	_ =	shalt  }
0x5f: {  	_ =	shalt  }
0x60: {  	_ =	shalt  }
0x61: {  	_ =	shalt  }
0x62: {  	_ =	shalt  }
0x63: {  	_ =	shalt  }
0x64: {  	_ =	shalt  }
0x65: {  	_ =	shalt  }
0x66: {  	_ =	shalt  }
0x67: {  	_ =	shalt  }
0x68: {  	_ =	shalt  }
0x69: {  	_ =	shalt  }
0x6a: {  	_ =	shalt  }
0x6b: {  	_ =	shalt  }
0x6c: {  	_ =	shalt  }
0x6d: {  	_ =	shalt  }
0x6e: {  	_ =	shalt  }
0x6f: {  	_ =	shalt  }
0x70: {  	_ =	shalt  }
0x71: {  	_ =	shalt  }
0x72: {  	_ =	shalt  }
0x73: {  	_ =	shalt  }
0x74: {  	_ =	shalt  }
0x75: {  	_ =	shalt  }
0x76: {  	_ =	shalt  }
0x77: {  	_ =	shalt  }
0x78: {  	_ =	shalt  }
0x79: {  	_ =	shalt  }
0x7a: {  	_ =	shalt  }
0x7b: {  	_ =	shalt  }
0x7c: {  	_ =	shalt  }
0x7d: {  	_ =	shalt  }
0x7e: {  	_ =	shalt  }
0x7f: {  	_ =	shalt  }
0x80: {  	_ =	shalt  }
0x81: {  	_ =	shalt  }
0x82: {  	_ =	shalt  }
0x83: {  	_ =	shalt  }
0x84: {  	_ =	shalt  }
0x85: {  	_ =	shalt  }
0x86: {  	_ =	shalt  }
0x87: {  	_ =	shalt  }
.Lfunc_end0:
.L_simem_size_0:
called_computation_lowered:
.L_overlay_start_0:
0x88: {  	s2 =	sld [smem:$0x3FD9]  }
0x89: {  	s3 =	sld [smem:$0x3FFE];
	_ =	sdelay $0x1  }
0x8a: {  	s1 =	srdreg.scid  }
0x8b: {  	s0 =	sand.u32 $0x1, s1  }
0x8c: {  	s18 =	sshll.u32 s0, $0xA;
	s2 =	sadd.s32 s3, s2  }
0x8d: {  	s2 =	sadd.s32 s2, s18  }
0x8e: {  	[smem:$0x3FC4] =	sst s2  }
0x8f: {  	_ = 	snop  }
0x90: {  	s2 =	sld [smem:$0x3FC9]  }
0x91: {  	s19 =	sld [smem:$0x3FC8]  }
0x92: {  	s4 =	sld [smem:$0x3FC7]  }
0x93: {  	s5 =	sld [smem:$0x3FC6]  }
0x94: {  	s6 =	sld [smem:$0x3FD0];
	(tm) =	ssettm $0x1  }
0x95: {  	s7 =	sld [smem:$0x3FFB];
	_ =	sdelay $0x3  }
0x96: {  	_ =	strace s7  }
0x97: {  	s7 =	sld [smem:$0x3FFC];
	_ =	sdelay $0x3  }
0x98: {  	_ =	strace s7  }
0x99: {  	s7 =	sld [smem:$0x3FFD];
	_ =	sdelay $0x3  }
0x9a: {  	_ =	strace s7  }
0x9b: {  	_ =	strace $0x8FFFFFFF  }
0x9c: {  	s20 =	sld [smem:$0x3FDB];
	_ =	sdelay $0x1  }
0x9d: {  	s8 =	simm.s32 $_scs_section_size  }
0x9e: {  	s9 =	simm.s32 $_size__tile_overlayer_lowered;
	s10 =	simm.s32 $_tile_overlayer_lowered  }
0x9f: {  	s23 =	simm.s32 $0x1BFF;
	s22 =	sshll.u32 s10, $0x1;
	s7 =	sadd.s32 s8, s20  }
0xa0: {  	s11 =	simm.s32 $0x0;
	s21 =	sshll.u32 s9, $0x1;
	s9 =	sadd.s32 s22, s7  }
0xa1: {  	[timem:s11], [sflag:s23] =	dma.local [hbm:s9], s21  }
0xa2: {  	_ =	swait.ge [sflag:s23], s21  }
0xa3: {  	s8 =	ssub.s32 $0x0, s21;
	[sflag:s23] =	ssyncset.done $0x0  }
0xa4: {  	[sflag:s23] =	ssyncadd.s32 s8;
	_ =	sdelay $0x1  }
0xa5: {  	s24 =	simm.s32 $0x1B8B  }
0xa6: {  	_ =	swait.ge [sflag:s24], $0x1  }
0xa7: {  	[sflag:s24] =	ssyncset.done $0x0  }
0xa8: {  	s25 =	simm.s32 $0x1B8E;
	[sflag:s24] =	ssyncadd.s32 $0xFFFFFFFF  }
0xa9: {  	s26 =	simm.s32 $execute0_lowered;
	[smem:$0x3FD2] =	sst s25  }
0xaa: {  	s8 =	sshll.u32 s26, $0x1;
	_ =	strace $0x80000046;
	[dreg:$0x1] =	wrdreg $0xFFFFFFFF  }
0xab: {  	s28 =	simm.s32 $_size_execute0_lowered;
	s7 =	sadd.s32 s7, s8;
	[dreg:$0x0] =	wrdreg $0x0  }
0xac: {  	s8 =	sshll.u32 s28, $0x1;
	[dreg:$0x2] =	wrdreg s7  }
0xad: {  	[dreg:$0x3] =	wrdreg s8  }
0xae: {  	[dreg:$0x4] =	wrdreg $0xC0  }
0xaf: {  	_ =	task [dreg:s11], $0x5FFFF  }
0xb0: {  	[dreg:$0x1] =	wrdreg $0xFFFFFFFF  }
0xb1: {  	[dreg:$0x0] =	wrdreg $0x60  }
0xb2: {  	[dreg:$0x2] =	wrdreg s2  }
0xb3: {  	[dreg:$0x3] =	wrdreg s19  }
0xb4: {  	[dreg:$0x4] =	wrdreg s4  }
0xb5: {  	[dreg:$0x5] =	wrdreg s5  }
0xb6: {  	[dreg:$0x6] =	wrdreg s6  }
0xb7: {  	[dreg:$0x7] =	wrdreg $0x9  }
0xb8: {  	_ =	task.clear_ibuf [dreg:s11], $0x8FFFF;
	_ =	strace $0x90000046  }
0xb9: {  	s29 =	simm.s32 $0x9;
	_ =	strace $0x80000048  }
0xba: {  	_ =	swait.ge [sflag:s29], $0x1  }
0xbb: {  	[sflag:s29] =	ssyncadd.s32 $0xFFFFFFFF  }
0xbc: {  	_ =	strace $0x90000048  }
0xbd: {  	_ =	sfence  }
0xbe: {  	s30 =	sld [smem:$0x0];
	_ =	sdelay $0x2  }
0xbf: {  	s31 =	sshll.u32 s1, $0xD;
	s1 =	sshrl.u32 s1, $0x2  }
0xc0: {  	s3 =	sand.u32 $0x4000, s31;
	s1 =	sadd.s32 s1, s30  }
0xc1: {  	s0 =	sor.u32 s3, s0;
	s1 =	sshll.u32 s1, $0x11  }
0xc2: {  	s0 =	sor.u32 s1, s0  }
0xc3: {  	s0 =	sadd.s32 $0x8F2B, s0  }
0xc4: {  	[sflag:s0] =	ssyncadd.remote.s32 $0x1  }
0xc5: {  	_ =	sfence.sel $0xFFFF  }
0xc6: {  	[dreg:$0x0] =	wrdreg $0xFFFFFFFF;
	(pc) =	sbr.abs _section_cstart, $3  }
0xc7: {  	[dreg:$0x1] =	wrdreg $0xFFFFFFFF  }
0xc8: {  	_ =	task.clear_ibuf [dreg:s11], $0x2FFFF;
	_ =	strace $0x9FFFFFFF  }
0xc9: {  	(tm) =	ssettm $0x7FFFFFFF  }
tec
execute0_lowered:
.L_overlay_start_1:
0x0: {  	(tag) =	ssettag $0x1  }
0x1: {  	s0 =	rddreg [dreg:$0x0]  }
0x2: {  	v0 =	vimm.s32 $0xEFCDAB89;
	s8 =	rddreg [dreg:$0x1]  }
0x3: {  	v1 =	vimm.s32 $0x67452301;
	v2 =	vimm.s32 $0xDCFE98BA;
	s1 =	rddreg [dreg:$0x2];
	v3 =	vimm.s32 $0x54761032  }
0x4: {  	s2 =	rddreg [dreg:$0x3];
	v4 =	vimm.s32 $0xBA98FEDC;
	v5 =	vimm.s32 $0x32107654;
	v6 =	vimm.s32 $0xFEDCBA98  }
0x5: {  	s4 =	rddreg [dreg:$0x4];
	v7 =	vimm.s32 $0x76543210;
	v0 =	vunpack.c.l.s4.s8 v0;
	v1 =	vunpack.c.l.s4.s8 v1  }
0x6: {  	s6 =	srdreg.scid;
	s3 =	rddreg [dreg:$0x5];
	v2 =	vunpack.c.l.s4.s8 v2;
	v3 =	vunpack.c.l.s4.s8 v3;
	v4 =	vunpack.c.l.s4.s8 v4  }
0x7: {  	s5 =	stileid.u32;
	s12 =	simm.s32 $0x4180;
	s13 =	simm.s32 $0x3;
	v5 =	vunpack.c.l.s4.s8 v5;
	v6 =	vunpack.c.l.s4.s8 v6;
	v7 =	vunpack.c.l.s4.s8 v7  }
0x8: {  	s14 =	simm.s32 $0x4000;
	s15 =	simm.s32 $0x0;
	s7 =	sand.u32 $0x1, s6;
	v0 =	vunpack.c.0.s8.s32 v0;
	v1 =	vunpack.c.0.s8.s32 v1;
	v2 =	vunpack.c.0.s8.s32 v2  }
.Ltmp0:
0x9: {  	s6 =	simm.s32 $0x0;
	s10 =	sshll.u32 s5, $0x1;
	v3 =	vunpack.c.0.s8.s32 v3;
	v4 =	vunpack.c.0.s8.s32 v4;
	v5 =	vunpack.c.0.s8.s32 v5;
	(pc) =	sbr.rel .LBB2_1-.Ltmp0, $4  }
0xa: {  	s9 =	ssub.s32 $0x2, s7;
	[smem:$0x7FF] =	sst s6;
	s7 =	sor.u32 s7, s10;
	v0 =	vcombine.low v1, v0;
	v1 =	vunpack.c.0.s8.s32 v6  }
0xb: {  	s11 =	sshrl.u32 s9, $0x1;
	_ =	strace $0x80000047;
	s10 =	sshll.u32 s7, $0x7;
	v2 =	vcombine.low v3, v2;
	v3 =	vcombine.low v5, v4;
	v4 =	vunpack.c.0.s8.s32 v7  }
0xc: {  	s7 =	sshll.u32 s7, $0xB;
	s9 =	ssub.s32 s9, s11;
	s8 =	sadd.s32 s8, s10;
	v0 =	vand.u32 $0xF, v0;
	v5 =	vand.u32 $0xF, v1  }
0xd: {  	s10 =	simm.s32 $0x4100;
	s11 =	simm.s32 $0x1;
	s9 =	smax.u32 s9, $0x1;
	v1 =	vand.u32 $0xF, v2;
	v2 =	vand.u32 $0xF, v3;
	v3 =	vcombine.low v5, v4  }
.LBB2_10:
0xe: {  	s15 =	sadd.s32 $0x1, s15  }
0xf: {  	p0 =	sne.s32 s15, s9  }
.Ltmp1:
0x10: {  	_ = 	snop;
	(pc) =	sbr.rel @!p0 .LBB2_11-.Ltmp1, $1  }
0x11: {  	_ =	sdelay $0x3  }
.LBB2_1:
0x12: {  	[tilespmem:s10], [sflag:$0x1] =	stream.linear.gather [hbm4b:s1+s6], $0x40, $0x38;
	[tilespmem:$0x4200] =	vst v63  }
0x13: {  	_ =	swait.ge [sflag:s11], $0x40  }
0x14: {  	[sflag:s11] =	ssyncset.done $0x0  }
0x15: {  	[sflag:s11] =	ssyncadd.s32 $0xFFFFFFC0  }
0x16: {  	[tilespmem:s12], [sflag:$0x1] =	stream.linear.gather [hbm4b:s2+s6], $0x80, $0x38;
	[tilespmem:$0x4200] =	vst v63  }
0x17: {  	_ =	swait.ge [sflag:s11], $0x80  }
0x18: {  	[sflag:s11] =	ssyncset.done $0x0  }
0x19: {  	[sflag:s11] =	ssyncadd.s32 $0xFFFFFF80  }
0x1a: {  	v4 =	vld [tilespmem:$0x4180];
	_ =	sdelay $0x4  }
0x1b: {  	(v2sf) =	vpush v4, $0x0  }
0x1c: {  	(v2sf) =	vpush v4, $0x1;
	_ =	sdelay $0xa  }
.Ltmp2:
0x1d: {  	_ = 	snop;
	(pc) =	sbr.rel .LBB2_2-.Ltmp2, $3  }
0x1e: {  	_ =	sdelay $0x1  }
0x1f: {  	s16 =	spop (v2sf)  }
0x20: {  	s18 =	simm.s32 $0x0;
	s17 =	spop (v2sf)  }
.LBB2_5:
0x21: {  	v9 =	vmin.f32 v13, $5.000000000e+02;
	[tilespmem:s20+$0xFFFFFFC0] =	vst v10  }
0x22: {  	v4 =	vsub.f32 v4, v12;
	v61 =	vmax.f32 v11, $0.0e+00;
	v7 =	vmin.f32 v7, $5.000000000e+02;
	[tilespmem:s20+$0xFFFFFFE0] =	vst v9  }
0x23: {  	v5 =	vsub.f32 v5, v12;
	v8 =	vmax.f32 v8, $0.0e+00;
	v62 =	vmin.f32 v61, $5.000000000e+02;
	[tilespmem:s20+$0x30] =	vst v7  }
0x24: {  	v63 =	vmin.f32 v8, $5.000000000e+02;
	v4 =	vmax.f32 v4, $0.0e+00;
	[tilespmem:s20+$0xFFFFFFF0] =	vst v62  }
0x25: {  	v5 =	vmax.f32 v5, $0.0e+00;
	[tilespmem:s20+$0x10] =	vst v63;
	v4 =	vmin.f32 v4, $5.000000000e+02  }
0x26: {  	v6 =	vmax.f32 v6, $0.0e+00;
	v5 =	vmin.f32 v5, $5.000000000e+02;
	[tilespmem:s20+$0xFFFFFFD0] =	vst v4  }
0x27: {  	v4 =	vmin.f32 v6, $5.000000000e+02;
	[tilespmem:s20+$0x0] =	vst v5  }
0x28: {  	[tilespmem:s20+$0x20] =	vst v4;
	s20 =	simm.s32 $0x1  }
.LBB2_9:
0x29: {  	s18 =	sadd.s32 $0x1, s18  }
0x2a: {  	p0 =	sne.s32 s18, $0x40  }
.Ltmp3:
0x2b: {  	s19 =	sadd.s32 s4, s19;
	(pc) =	sbr.rel @!p0 .LBB2_10-.Ltmp3, $4  }
0x2c: {  	[hbm4b:s19+s6] =	stream.linear.scatter [tilespmem:s6], [sflag:s20], $0x4000, $0x38;
	[tilespmem:$0x4200] =	vst v63  }
0x2d: {  	_ =	swait.ge [sflag:s20], $0x4000  }
0x2e: {  	[sflag:s20] =	ssyncset.done $0x0  }
0x2f: {  	[sflag:s20] =	ssyncadd.s32 $0xFFFFC000  }
.LBB2_2:
0x30: {  	v4 =	vld [tilespmem:s18+$0x4100];
	_ =	sdelay $0x4  }
0x31: {  	(v2sf) =	vpush v4, $0x0;
	_ =	sdelay $0xe  }
0x32: {  	s19 =	sshll.u32 s18, $0x10;
	s21 =	spop (v2sf)  }
0x33: {  	s19 =	sor.u32 s7, s19;
	p0 =	sne.s32 s21, $0x1  }
.Ltmp4:
0x34: {  	s20 =	simm.s32 $0x0;
	s22 =	sadd.s32 s0, s19;
	(pc) =	sbr.rel @p0 .LBB2_6-.Ltmp4, $4  }
0x35: {  	[tilespmem:s20], [sflag:$0x3] =	stream.linear.gather [hbm4b:s22+s20], $0x4000, $0x38;
	[tilespmem:$0x4200] =	vst v63  }
0x36: {  	_ =	swait.ge [sflag:s13], $0x4000  }
0x37: {  	[sflag:s13] =	ssyncset.done $0x0  }
0x38: {  	[sflag:s13] =	ssyncadd.s32 $0xFFFFC000  }
0x39: {  	s21 =	sshll.u32 s18, $0x9  }
0x3a: {  	s22 =	sshll.u32 s18, $0x4;
	s21 =	sand.u32 $0x7000, s21  }
0x3b: {  	s22 =	sand.u32 $0x70, s22;
	s21 =	sadd.s32 s21, s8  }
0x3c: {  	s21 =	sadd.s32 s22, s21  }
0x3d: {  	[tilespmem:s14], [sflag:$0x3] =	stream.linear.gather [hbm4b:s21+s20], $0x80, $0x38;
	[tilespmem:$0x4200] =	vst v63  }
0x3e: {  	_ =	swait.ge [sflag:s13], $0x80  }
0x3f: {  	[sflag:s13] =	ssyncset.done $0x0  }
0x40: {  	s30 =	simm.s32 $0x0;
	[sflag:s13] =	ssyncadd.s32 $0xFFFFFF80  }
0x41: {  	v4 =	vld [tilespmem:s30+$0x4000];
	_ =	sdelay $0x4  }
0x42: {  	(v2sf) =	vpush v4, $0x0;
	_ =	sdelay $0xe  }
0x43: {  	s20 =	simm.s32 $0x40;
	s31 =	spop (v2sf)  }
0x44: {  	v5 =	vld [tilespmem:s20+$0xFFFFFFD0];
	s21 =	smul.f32 s31, s17  }
0x45: {  	v4 =	vld [tilespmem:s20+$0xFFFFFFC0]  }
0x46: {  	s21 =	smax.f32 s21, $9.999999770e-03  }
0x47: {  	v7 =	vld [tilespmem:s20+$0xFFFFFFE0];
	s21 =	smin.f32 s21, $1.000000000e+00  }
0x48: {  	s21 =	smul.f32 s21, s16  }
0x49: {  	v8 =	vld [tilespmem:s20+$0xFFFFFFF0]  }
0x4a: {  	v6 =	vmul.f32 s21, v4;
	v4 =	vmul.f32 s21, v5  }
0x4b: {  	v5 =	vld [tilespmem:s20+$0x0]  }
0x4c: {  	v7 =	vmul.f32 s21, v7;
	v10 =	vadd.f32 v4, v6  }
0x4d: {  	v11 =	vld [tilespmem:s20+$0x10]  }
0x4e: {  	v9 =	vmul.f32 s21, v8;
	v8 =	vadd.f32 v10, v7  }
0x4f: {  	v10 =	vld [tilespmem:s20+$0x20]  }
0x50: {  	v5 =	vmul.f32 s21, v5;
	v12 =	vadd.f32 v8, v9  }
0x51: {  	v13 =	vld [tilespmem:s20+$0x30]  }
0x52: {  	v8 =	vmul.f32 s21, v11;
	v11 =	vadd.f32 v12, v5;
	_ =	sdelay $0x1  }
0x53: {  	v10 =	vmul.f32 s21, v10;
	v12 =	vadd.f32 v11, v8;
	_ =	sdelay $0x1  }
0x54: {  	v11 =	vmul.f32 s21, v13;
	v12 =	vadd.f32 v12, v10;
	_ =	sdelay $0x1  }
0x55: {  	v12 =	vadd.f32 v12, v11;
	_ =	sdelay $0x1  }
0x56: {  	v13 =	vperm.xlane v12, v0;
	_ =	sdelay $0x1  }
0x57: {  	v12 =	vadd.f32 v12, v13;
	_ =	sdelay $0x1  }
0x58: {  	v13 =	vperm.xlane v12, v1;
	_ =	sdelay $0x1  }
0x59: {  	v12 =	vadd.f32 v12, v13;
	_ =	sdelay $0x1  }
0x5a: {  	v13 =	vperm.xlane v12, v2;
	_ =	sdelay $0x1  }
0x5b: {  	v12 =	vadd.f32 v12, v13;
	_ =	sdelay $0x1  }
0x5c: {  	v13 =	vperm.xlane v12, v3;
	_ =	sdelay $0x1  }
0x5d: {  	v12 =	vadd.f32 v12, v13;
	_ =	sdelay $0x1  }
0x5e: {  	v14 =	vmul.f32 $0.0e+00, v12;
	_ =	sdelay $0x1  }
0x5f: {  	v13 =	vsub.f32 v6, v14;
	v15 =	vsub.f32 v4, v14;
	_ =	sdelay $0x1  }
0x60: {  	v16 =	vsub.f32 v7, v14;
	v13 =	vmax.f32 v13, $0.0e+00;
	v15 =	vmax.f32 v15, $0.0e+00  }
0x61: {  	v13 =	vmin.f32 v13, $5.000000000e+02;
	v15 =	vmin.f32 v15, $5.000000000e+02  }
0x62: {  	v17 =	vsub.f32 v9, v14;
	v16 =	vmax.f32 v16, $0.0e+00;
	v13 =	vadd.f32 v15, v13  }
0x63: {  	v18 =	vmax.f32 v6, v4;
	v15 =	vmin.f32 v16, $5.000000000e+02  }
0x64: {  	v28 =	vsub.f32 v5, v14;
	v17 =	vmax.f32 v17, $0.0e+00;
	v13 =	vadd.f32 v13, v15  }
0x65: {  	v29 =	vmax.f32 v18, v7;
	v17 =	vmin.f32 v17, $5.000000000e+02  }
0x66: {  	v19 =	vsub.f32 v8, v14;
	v16 =	vmax.f32 v28, $0.0e+00;
	v13 =	vadd.f32 v13, v17  }
0x67: {  	v31 =	vmax.f32 v29, v9;
	v30 =	vsub.f32 v10, v14;
	v16 =	vmin.f32 v16, $5.000000000e+02  }
0x68: {  	v19 =	vmax.f32 v19, $0.0e+00;
	v15 =	vmin.f32 v6, v4;
	v13 =	vadd.f32 v13, v16  }
0x69: {  	v33 =	vsub.f32 v11, v14;
	v32 =	vmin.f32 v19, $5.000000000e+02;
	v15 =	vmin.f32 v15, v7  }
0x6a: {  	v18 =	vmax.f32 v30, $0.0e+00;
	v15 =	vmin.f32 v15, v9;
	v13 =	vadd.f32 v13, v32  }
0x6b: {  	v35 =	vmax.f32 v33, $0.0e+00;
	v34 =	vmin.f32 v18, $5.000000000e+02;
	v15 =	vmin.f32 v15, v5  }
0x6c: {  	v16 =	vmax.f32 v31, v5;
	v15 =	vmin.f32 v15, v8;
	v13 =	vadd.f32 v13, v34  }
0x6d: {  	v36 =	vmin.f32 v35, $5.000000000e+02;
	v16 =	vmax.f32 v16, v8;
	v15 =	vmin.f32 v15, v10  }
0x6e: {  	v16 =	vmax.f32 v16, v10;
	v15 =	vmin.f32 v15, v11;
	v13 =	vadd.f32 v13, v36  }
0x6f: {  	v16 =	vmax.f32 v16, v11;
	v38 =	vperm.xlane v15, v0  }
0x70: {  	v37 =	vperm.xlane v16, v0;
	v39 =	vperm.xlane v13, v0;
	_ =	sdelay $0x1  }
0x71: {  	v15 =	vmin.f32 v15, v38;
	v16 =	vmax.f32 v16, v37;
	v13 =	vadd.f32 v13, v39  }
0x72: {  	v18 =	vperm.xlane v15, v1;
	v17 =	vperm.xlane v16, v1  }
0x73: {  	v19 =	vperm.xlane v13, v1  }
0x74: {  	v15 =	vmin.f32 v15, v18;
	v16 =	vmax.f32 v16, v17  }
0x75: {  	v18 =	vperm.xlane v15, v2;
	v17 =	vperm.xlane v16, v2;
	v13 =	vadd.f32 v13, v19;
	_ =	sdelay $0x1  }
0x76: {  	v15 =	vmin.f32 v15, v18;
	v16 =	vmax.f32 v16, v17;
	v40 =	vperm.xlane v13, v2  }
0x77: {  	v42 =	vperm.xlane v15, v3;
	v41 =	vperm.xlane v16, v3  }
0x78: {  	v17 =	vadd.f32 v13, v40  }
0x79: {  	v15 =	vmin.f32 v15, v42;
	v13 =	vmax.f32 v16, v41  }
0x7a: {  	v13 =	vsub.f32 v13, v15;
	v15 =	vperm.xlane v17, v3;
	_ =	sdelay $0x1  }
0x7b: {  	v13 =	vmax.f32 v13, $1.000000000e+00;
	v15 =	vadd.f32 v17, v15  }
0x7c: {  	v43 =	vmul.f32 $5.000000000e-01, v13  }
0x7d: {  	v15 =	vsub.f32 v15, v12  }
0x7e: {  	v44 =	vsub.f32 $0.0e+00, v43  }
0x7f: {  	vm0 =	vle.f32 v15, $-1.000000010e-01  }
0x80: {  	vm1 =	vge.f32 v15, $1.000000010e-01;
	v15 =	vnsel vm0, $0x0, v44  }
0x81: {  	v15 =	vsel vm1, v43, v15  }
0x82: {  	v14 =	vadd.f32 v15, v14;
	_ =	sdelay $0x1  }
0x83: {  	v15 =	vsub.f32 v6, v14;
	v45 =	vsub.f32 v4, v14;
	_ =	sdelay $0x1  }
0x84: {  	v46 =	vsub.f32 v7, v14;
	v15 =	vmax.f32 v15, $0.0e+00;
	v16 =	vmax.f32 v45, $0.0e+00  }
0x85: {  	v15 =	vmin.f32 v15, $5.000000000e+02;
	v16 =	vmin.f32 v16, $5.000000000e+02  }
0x86: {  	v47 =	vsub.f32 v9, v14;
	v17 =	vmax.f32 v46, $0.0e+00;
	v15 =	vadd.f32 v16, v15  }
0x87: {  	v48 =	vmin.f32 v17, $5.000000000e+02  }
0x88: {  	v49 =	vsub.f32 v5, v14;
	v18 =	vmax.f32 v47, $0.0e+00;
	v15 =	vadd.f32 v15, v48  }
0x89: {  	v50 =	vmin.f32 v18, $5.000000000e+02  }
0x8a: {  	v51 =	vsub.f32 v8, v14;
	v17 =	vmax.f32 v49, $0.0e+00;
	v15 =	vadd.f32 v15, v50  }
0x8b: {  	v52 =	vmin.f32 v17, $5.000000000e+02  }
0x8c: {  	v53 =	vsub.f32 v10, v14;
	v18 =	vmax.f32 v51, $0.0e+00;
	v15 =	vadd.f32 v15, v52  }
0x8d: {  	v54 =	vmin.f32 v18, $5.000000000e+02  }
0x8e: {  	v55 =	vsub.f32 v11, v14;
	v17 =	vmax.f32 v53, $0.0e+00;
	v15 =	vadd.f32 v15, v54  }
0x8f: {  	v56 =	vmin.f32 v17, $5.000000000e+02  }
0x90: {  	v57 =	vmax.f32 v55, $0.0e+00;
	v15 =	vadd.f32 v15, v56  }
0x91: {  	v58 =	vmin.f32 v57, $5.000000000e+02  }
0x92: {  	v15 =	vadd.f32 v15, v58;
	_ =	sdelay $0x1  }
0x93: {  	v16 =	vperm.xlane v15, v0;
	_ =	sdelay $0x1  }
0x94: {  	v15 =	vadd.f32 v15, v16;
	_ =	sdelay $0x1  }
0x95: {  	v16 =	vperm.xlane v15, v1;
	_ =	sdelay $0x1  }
0x96: {  	v15 =	vadd.f32 v15, v16;
	_ =	sdelay $0x1  }
0x97: {  	v16 =	vperm.xlane v15, v2;
	_ =	sdelay $0x1  }
0x98: {  	v15 =	vadd.f32 v15, v16;
	_ =	sdelay $0x1  }
0x99: {  	v16 =	vperm.xlane v15, v3;
	_ =	sdelay $0x1  }
0x9a: {  	v15 =	vadd.f32 v15, v16  }
0x9b: {  	v59 =	vmul.f32 $2.500000000e-01, v13  }
0x9c: {  	v15 =	vsub.f32 v15, v12  }
0x9d: {  	v60 =	vsub.f32 $0.0e+00, v59  }
0x9e: {  	vm8 =	vle.f32 v15, $-1.000000010e-01  }
0x9f: {  	vm9 =	vge.f32 v15, $1.000000010e-01;
	v15 =	vnsel vm8, $0x0, v60  }
0xa0: {  	v15 =	vsel vm9, v59, v15  }
0xa1: {  	v14 =	vadd.f32 v15, v14;
	_ =	sdelay $0x1  }
0xa2: {  	v15 =	vsub.f32 v6, v14;
	v61 =	vsub.f32 v4, v14;
	_ =	sdelay $0x1  }
0xa3: {  	v62 =	vsub.f32 v7, v14;
	v15 =	vmax.f32 v15, $0.0e+00;
	v16 =	vmax.f32 v61, $0.0e+00  }
0xa4: {  	v15 =	vmin.f32 v15, $5.000000000e+02;
	v16 =	vmin.f32 v16, $5.000000000e+02  }
0xa5: {  	v63 =	vsub.f32 v9, v14;
	v17 =	vmax.f32 v62, $0.0e+00;
	v15 =	vadd.f32 v16, v15  }
0xa6: {  	v21 =	vmin.f32 v17, $5.000000000e+02  }
0xa7: {  	v22 =	vsub.f32 v5, v14;
	v18 =	vmax.f32 v63, $0.0e+00;
	v15 =	vadd.f32 v15, v21  }
0xa8: {  	v23 =	vmin.f32 v18, $5.000000000e+02  }
0xa9: {  	v24 =	vsub.f32 v8, v14;
	v17 =	vmax.f32 v22, $0.0e+00;
	v15 =	vadd.f32 v15, v23  }
0xaa: {  	v25 =	vmin.f32 v17, $5.000000000e+02  }
0xab: {  	v26 =	vsub.f32 v10, v14;
	v18 =	vmax.f32 v24, $0.0e+00;
	v15 =	vadd.f32 v15, v25  }
0xac: {  	v27 =	vmin.f32 v18, $5.000000000e+02  }
0xad: {  	v28 =	vsub.f32 v11, v14;
	v17 =	vmax.f32 v26, $0.0e+00;
	v15 =	vadd.f32 v15, v27  }
0xae: {  	v29 =	vmin.f32 v17, $5.000000000e+02  }
0xaf: {  	v30 =	vmax.f32 v28, $0.0e+00;
	v15 =	vadd.f32 v15, v29  }
0xb0: {  	v31 =	vmin.f32 v30, $5.000000000e+02  }
0xb1: {  	v15 =	vadd.f32 v15, v31;
	_ =	sdelay $0x1  }
0xb2: {  	v16 =	vperm.xlane v15, v0;
	_ =	sdelay $0x1  }
0xb3: {  	v15 =	vadd.f32 v15, v16;
	_ =	sdelay $0x1  }
0xb4: {  	v16 =	vperm.xlane v15, v1;
	_ =	sdelay $0x1  }
0xb5: {  	v15 =	vadd.f32 v15, v16;
	_ =	sdelay $0x1  }
0xb6: {  	v16 =	vperm.xlane v15, v2;
	_ =	sdelay $0x1  }
0xb7: {  	v15 =	vadd.f32 v15, v16;
	_ =	sdelay $0x1  }
0xb8: {  	v16 =	vperm.xlane v15, v3;
	_ =	sdelay $0x1  }
0xb9: {  	v15 =	vadd.f32 v15, v16  }
0xba: {  	v32 =	vmul.f32 $1.250000000e-01, v13  }
0xbb: {  	v15 =	vsub.f32 v15, v12  }
0xbc: {  	v33 =	vsub.f32 $0.0e+00, v32  }
0xbd: {  	vm10 =	vle.f32 v15, $-1.000000010e-01  }
0xbe: {  	vm11 =	vge.f32 v15, $1.000000010e-01;
	v15 =	vnsel vm10, $0x0, v33  }
0xbf: {  	v15 =	vsel vm11, v32, v15  }
0xc0: {  	v14 =	vadd.f32 v15, v14;
	_ =	sdelay $0x1  }
0xc1: {  	v15 =	vsub.f32 v6, v14;
	v34 =	vsub.f32 v4, v14;
	_ =	sdelay $0x1  }
0xc2: {  	v35 =	vsub.f32 v7, v14;
	v15 =	vmax.f32 v15, $0.0e+00;
	v16 =	vmax.f32 v34, $0.0e+00  }
0xc3: {  	v15 =	vmin.f32 v15, $5.000000000e+02;
	v16 =	vmin.f32 v16, $5.000000000e+02  }
0xc4: {  	v36 =	vsub.f32 v9, v14;
	v17 =	vmax.f32 v35, $0.0e+00;
	v15 =	vadd.f32 v16, v15  }
0xc5: {  	v37 =	vmin.f32 v17, $5.000000000e+02  }
0xc6: {  	v38 =	vsub.f32 v5, v14;
	v18 =	vmax.f32 v36, $0.0e+00;
	v15 =	vadd.f32 v15, v37  }
0xc7: {  	v39 =	vmin.f32 v18, $5.000000000e+02  }
0xc8: {  	v40 =	vsub.f32 v8, v14;
	v17 =	vmax.f32 v38, $0.0e+00;
	v15 =	vadd.f32 v15, v39  }
0xc9: {  	v41 =	vmin.f32 v17, $5.000000000e+02  }
0xca: {  	v42 =	vsub.f32 v10, v14;
	v18 =	vmax.f32 v40, $0.0e+00;
	v15 =	vadd.f32 v15, v41  }
0xcb: {  	v43 =	vmin.f32 v18, $5.000000000e+02  }
0xcc: {  	v44 =	vsub.f32 v11, v14;
	v17 =	vmax.f32 v42, $0.0e+00;
	v15 =	vadd.f32 v15, v43  }
0xcd: {  	v45 =	vmin.f32 v17, $5.000000000e+02  }
0xce: {  	v46 =	vmax.f32 v44, $0.0e+00;
	v15 =	vadd.f32 v15, v45  }
0xcf: {  	v47 =	vmin.f32 v46, $5.000000000e+02  }
0xd0: {  	v15 =	vadd.f32 v15, v47;
	_ =	sdelay $0x1  }
0xd1: {  	v16 =	vperm.xlane v15, v0;
	_ =	sdelay $0x1  }
0xd2: {  	v15 =	vadd.f32 v15, v16;
	_ =	sdelay $0x1  }
0xd3: {  	v16 =	vperm.xlane v15, v1;
	_ =	sdelay $0x1  }
0xd4: {  	v15 =	vadd.f32 v15, v16;
	_ =	sdelay $0x1  }
0xd5: {  	v16 =	vperm.xlane v15, v2;
	_ =	sdelay $0x1  }
0xd6: {  	v15 =	vadd.f32 v15, v16;
	_ =	sdelay $0x1  }
0xd7: {  	v16 =	vperm.xlane v15, v3;
	_ =	sdelay $0x1  }
0xd8: {  	v15 =	vadd.f32 v15, v16  }
0xd9: {  	v48 =	vmul.f32 $6.250000000e-02, v13  }
0xda: {  	v15 =	vsub.f32 v15, v12  }
0xdb: {  	v49 =	vsub.f32 $0.0e+00, v48  }
0xdc: {  	vm12 =	vle.f32 v15, $-1.000000010e-01  }
0xdd: {  	vm13 =	vge.f32 v15, $1.000000010e-01;
	v15 =	vnsel vm12, $0x0, v49  }
0xde: {  	v15 =	vsel vm13, v48, v15  }
0xdf: {  	v14 =	vadd.f32 v15, v14;
	_ =	sdelay $0x1  }
0xe0: {  	v15 =	vsub.f32 v6, v14;
	v50 =	vsub.f32 v4, v14;
	_ =	sdelay $0x1  }
0xe1: {  	v51 =	vsub.f32 v7, v14;
	v15 =	vmax.f32 v15, $0.0e+00;
	v16 =	vmax.f32 v50, $0.0e+00  }
0xe2: {  	v15 =	vmin.f32 v15, $5.000000000e+02;
	v16 =	vmin.f32 v16, $5.000000000e+02  }
0xe3: {  	v52 =	vsub.f32 v9, v14;
	v17 =	vmax.f32 v51, $0.0e+00;
	v15 =	vadd.f32 v16, v15  }
0xe4: {  	v53 =	vmin.f32 v17, $5.000000000e+02  }
0xe5: {  	v54 =	vsub.f32 v5, v14;
	v18 =	vmax.f32 v52, $0.0e+00;
	v15 =	vadd.f32 v15, v53  }
0xe6: {  	v55 =	vmin.f32 v18, $5.000000000e+02  }
0xe7: {  	v56 =	vsub.f32 v8, v14;
	v17 =	vmax.f32 v54, $0.0e+00;
	v15 =	vadd.f32 v15, v55  }
0xe8: {  	v57 =	vmin.f32 v17, $5.000000000e+02  }
0xe9: {  	v58 =	vsub.f32 v10, v14;
	v18 =	vmax.f32 v56, $0.0e+00;
	v15 =	vadd.f32 v15, v57  }
0xea: {  	v59 =	vmin.f32 v18, $5.000000000e+02  }
0xeb: {  	v60 =	vsub.f32 v11, v14;
	v17 =	vmax.f32 v58, $0.0e+00;
	v15 =	vadd.f32 v15, v59  }
0xec: {  	v61 =	vmin.f32 v17, $5.000000000e+02  }
0xed: {  	v62 =	vmax.f32 v60, $0.0e+00;
	v15 =	vadd.f32 v15, v61  }
0xee: {  	v63 =	vmin.f32 v62, $5.000000000e+02  }
0xef: {  	v15 =	vadd.f32 v15, v63;
	_ =	sdelay $0x1  }
0xf0: {  	v16 =	vperm.xlane v15, v0;
	_ =	sdelay $0x1  }
0xf1: {  	v15 =	vadd.f32 v15, v16;
	_ =	sdelay $0x1  }
0xf2: {  	v16 =	vperm.xlane v15, v1;
	_ =	sdelay $0x1  }
0xf3: {  	v15 =	vadd.f32 v15, v16;
	_ =	sdelay $0x1  }
0xf4: {  	v16 =	vperm.xlane v15, v2;
	_ =	sdelay $0x1  }
0xf5: {  	v15 =	vadd.f32 v15, v16;
	_ =	sdelay $0x1  }
0xf6: {  	v16 =	vperm.xlane v15, v3;
	_ =	sdelay $0x1  }
0xf7: {  	v15 =	vadd.f32 v15, v16  }
0xf8: {  	v13 =	vmul.f32 $3.125000000e-02, v13  }
0xf9: {  	v12 =	vsub.f32 v15, v12  }
0xfa: {  	v15 =	vsub.f32 $0.0e+00, v13  }
0xfb: {  	vm14 =	vle.f32 v12, $-1.000000010e-01  }
0xfc: {  	vm15 =	vge.f32 v12, $1.000000010e-01;
	v12 =	vnsel vm14, $0x0, v15  }
0xfd: {  	v12 =	vsel vm15, v13, v12  }
0xfe: {  	p0 =	por $0x0, $0x0;
	v12 =	vadd.f32 v12, v14  }
.Ltmp5:
0xff: {  	_ = 	snop;
	(pc) =	sbr.rel @p0 .LBB2_5-.Ltmp5, $4  }
0x100: {  	v6 =	vsub.f32 v6, v12;
	v13 =	vsub.f32 v11, v12  }
0x101: {  	v14 =	vsub.f32 v7, v12;
	v11 =	vsub.f32 v9, v12  }
0x102: {  	v8 =	vsub.f32 v8, v12;
	v9 =	vmax.f32 v6, $0.0e+00;
	v6 =	vsub.f32 v10, v12  }
0x103: {  	s22 =	simm.s32 $0x40;
	s21 =	simm.s32 $0x4;
	v7 =	vmax.f32 v13, $0.0e+00;
	v13 =	vmax.f32 v14, $0.0e+00;
	v10 =	vmin.f32 v9, $5.000000000e+02  }
.LBB2_4:
0x104: {  	p0 =	seq.s32 s21, $0x1FC  }
0x105: {  	v4 =	vsub.f32 v4, v12;
	v9 =	vmin.f32 v13, $5.000000000e+02;
	v11 =	vmax.f32 v11, $0.0e+00;
	s22 =	sadd.s32 $0x80, s22;
	s23 =	smov.u32 s21;
	s21 =	sadd.s32 $0x4, s21  }
0x106: {  	v5 =	vsub.f32 v5, v12;
	v6 =	vmax.f32 v6, $0.0e+00;
	v7 =	vmin.f32 v7, $5.000000000e+02;
	[tilespmem:s20+$0xFFFFFFC0] =	vst v10  }
0x107: {  	v8 =	vmax.f32 v8, $0.0e+00;
	v6 =	vmin.f32 v6, $5.000000000e+02;
	[tilespmem:s20+$0xFFFFFFE0] =	vst v9  }
0x108: {  	v4 =	vmax.f32 v4, $0.0e+00;
	v9 =	vmin.f32 v11, $5.000000000e+02;
	v5 =	vmax.f32 v5, $0.0e+00;
	[tilespmem:s20+$0x30] =	vst v7  }
0x109: {  	v4 =	vmin.f32 v4, $5.000000000e+02;
	v5 =	vmin.f32 v5, $5.000000000e+02;
	v7 =	vmin.f32 v8, $5.000000000e+02;
	[tilespmem:s20+$0xFFFFFFF0] =	vst v9  }
0x10a: {  	[tilespmem:s20+$0x10] =	vst v7  }
0x10b: {  	[tilespmem:s20+$0xFFFFFFD0] =	vst v4  }
0x10c: {  	[tilespmem:s20+$0x0] =	vst v5  }
0x10d: {  	s23 =	sshra.s32 s23, $0x2;
	[tilespmem:s20+$0x20] =	vst v6;
	s20 =	smov.u32 s22  }
0x10e: {  	v4 =	vld [tilespmem:s23+$0x4000];
	_ =	sdelay $0x4  }
0x10f: {  	(v2sf) =	vpush v4, $0x0;
	_ =	sdelay $0xe  }
0x110: {  	s23 =	spop (v2sf)  }
0x111: {  	s23 =	smul.f32 s23, s17;
	v4 =	vld [tilespmem:s22+$0xFFFFFFC0]  }
0x112: {  	v5 =	vld [tilespmem:s22+$0xFFFFFFD0]  }
0x113: {  	s23 =	smax.f32 s23, $9.999999770e-03  }
0x114: {  	s23 =	smin.f32 s23, $1.000000000e+00;
	v7 =	vld [tilespmem:s22+$0xFFFFFFE0]  }
0x115: {  	s23 =	smul.f32 s23, s16  }
0x116: {  	v8 =	vld [tilespmem:s22+$0xFFFFFFF0]  }
0x117: {  	v6 =	vmul.f32 s23, v4;
	v4 =	vmul.f32 s23, v5  }
0x118: {  	v5 =	vld [tilespmem:s22+$0x0]  }
0x119: {  	v7 =	vmul.f32 s23, v7;
	v9 =	vadd.f32 v4, v6;
	v10 =	vmin.f32 v6, v4  }
0x11a: {  	v12 =	vmax.f32 v6, v4;
	v11 =	vld [tilespmem:s22+$0x10]  }
0x11b: {  	v8 =	vmul.f32 s23, v8;
	v9 =	vadd.f32 v9, v7;
	v10 =	vmin.f32 v10, v7  }
0x11c: {  	v12 =	vmax.f32 v12, v7;
	v13 =	vld [tilespmem:s22+$0x20]  }
0x11d: {  	v5 =	vmul.f32 s23, v5;
	v14 =	vadd.f32 v9, v8;
	v10 =	vmin.f32 v10, v8  }
0x11e: {  	v12 =	vmax.f32 v12, v8;
	v15 =	vld [tilespmem:s22+$0x30]  }
0x11f: {  	v9 =	vmul.f32 s23, v11;
	v11 =	vadd.f32 v14, v5;
	v12 =	vmax.f32 v12, v5  }
0x120: {  	v14 =	vmin.f32 v10, v5  }
0x121: {  	v10 =	vmul.f32 s23, v13;
	v13 =	vadd.f32 v11, v9;
	v12 =	vmax.f32 v12, v9  }
0x122: {  	v14 =	vmin.f32 v14, v9  }
0x123: {  	v11 =	vmul.f32 s23, v15;
	v13 =	vadd.f32 v13, v10  }
0x124: {  	v12 =	vmax.f32 v12, v10;
	v14 =	vmin.f32 v14, v10  }
0x125: {  	v13 =	vadd.f32 v13, v11;
	v12 =	vmax.f32 v12, v11;
	v14 =	vmin.f32 v14, v11  }
0x126: {  	v15 =	vperm.xlane v12, v0;
	v16 =	vperm.xlane v14, v0  }
0x127: {  	v17 =	vperm.xlane v13, v0  }
0x128: {  	v12 =	vmax.f32 v12, v15;
	v14 =	vmin.f32 v14, v16  }
0x129: {  	v13 =	vadd.f32 v13, v17;
	v15 =	vperm.xlane v12, v1;
	v16 =	vperm.xlane v14, v1;
	_ =	sdelay $0x1  }
0x12a: {  	v17 =	vperm.xlane v13, v1;
	v12 =	vmax.f32 v12, v15;
	v14 =	vmin.f32 v14, v16  }
0x12b: {  	v15 =	vperm.xlane v12, v2;
	v16 =	vperm.xlane v14, v2  }
0x12c: {  	v13 =	vadd.f32 v13, v17  }
0x12d: {  	v12 =	vmax.f32 v12, v15;
	v14 =	vmin.f32 v14, v16  }
0x12e: {  	v15 =	vperm.xlane v13, v2;
	v16 =	vperm.xlane v12, v3  }
0x12f: {  	v17 =	vperm.xlane v14, v3  }
0x130: {  	v13 =	vadd.f32 v13, v15;
	v12 =	vmax.f32 v12, v16  }
0x131: {  	v14 =	vmin.f32 v14, v17  }
0x132: {  	v14 =	vsub.f32 v12, v14;
	v15 =	vperm.xlane v13, v3;
	_ =	sdelay $0x1  }
0x133: {  	v12 =	vadd.f32 v13, v15;
	v13 =	vmax.f32 v14, $1.000000000e+00;
	_ =	sdelay $0x1  }
0x134: {  	v14 =	vmul.f32 $0.0e+00, v12;
	_ =	sdelay $0x1  }
0x135: {  	v15 =	vsub.f32 v6, v14;
	v16 =	vsub.f32 v4, v14  }
0x136: {  	v17 =	vsub.f32 v7, v14;
	v18 =	vsub.f32 v8, v14  }
0x137: {  	v19 =	vsub.f32 v5, v14;
	v15 =	vmax.f32 v15, $0.0e+00;
	v16 =	vmax.f32 v16, $0.0e+00  }
0x138: {  	v17 =	vmax.f32 v17, $0.0e+00;
	v15 =	vmin.f32 v15, $5.000000000e+02;
	v16 =	vmin.f32 v16, $5.000000000e+02  }
0x139: {  	v15 =	vadd.f32 v16, v15;
	v16 =	vmax.f32 v18, $0.0e+00;
	v18 =	vmax.f32 v19, $0.0e+00  }
0x13a: {  	v20 =	vsub.f32 v10, v14;
	v17 =	vmin.f32 v17, $5.000000000e+02;
	v19 =	vsub.f32 v9, v14  }
0x13b: {  	v15 =	vadd.f32 v15, v17;
	v17 =	vsub.f32 v11, v14  }
0x13c: {  	v20 =	vmax.f32 v20, $0.0e+00;
	v16 =	vmin.f32 v16, $5.000000000e+02;
	v19 =	vmax.f32 v19, $0.0e+00  }
0x13d: {  	v15 =	vadd.f32 v15, v16;
	v16 =	vmax.f32 v17, $0.0e+00  }
0x13e: {  	v17 =	vmin.f32 v18, $5.000000000e+02  }
0x13f: {  	v15 =	vadd.f32 v15, v17  }
0x140: {  	v17 =	vmin.f32 v19, $5.000000000e+02  }
0x141: {  	v15 =	vadd.f32 v15, v17  }
0x142: {  	v17 =	vmin.f32 v20, $5.000000000e+02  }
0x143: {  	v15 =	vadd.f32 v15, v17  }
0x144: {  	v16 =	vmin.f32 v16, $5.000000000e+02  }
0x145: {  	v15 =	vadd.f32 v15, v16;
	_ =	sdelay $0x1  }
0x146: {  	v16 =	vperm.xlane v15, v0;
	_ =	sdelay $0x1  }
0x147: {  	v15 =	vadd.f32 v15, v16;
	_ =	sdelay $0x1  }
0x148: {  	v16 =	vperm.xlane v15, v1;
	_ =	sdelay $0x1  }
0x149: {  	v15 =	vadd.f32 v15, v16;
	_ =	sdelay $0x1  }
0x14a: {  	v16 =	vperm.xlane v15, v2;
	_ =	sdelay $0x1  }
0x14b: {  	v15 =	vadd.f32 v15, v16;
	_ =	sdelay $0x1  }
0x14c: {  	v16 =	vperm.xlane v15, v3;
	_ =	sdelay $0x1  }
0x14d: {  	v15 =	vadd.f32 v15, v16  }
0x14e: {  	v16 =	vmul.f32 $5.000000000e-01, v13  }
0x14f: {  	v15 =	vsub.f32 v15, v12  }
0x150: {  	v17 =	vsub.f32 $0.0e+00, v16  }
0x151: {  	vm0 =	vle.f32 v15, $-1.000000010e-01  }
0x152: {  	vm1 =	vge.f32 v15, $1.000000010e-01;
	v15 =	vnsel vm0, $0x0, v17  }
0x153: {  	v15 =	vsel vm1, v16, v15  }
0x154: {  	v14 =	vadd.f32 v15, v14;
	_ =	sdelay $0x1  }
0x155: {  	v15 =	vsub.f32 v6, v14;
	v16 =	vsub.f32 v4, v14  }
0x156: {  	v17 =	vsub.f32 v7, v14;
	v18 =	vsub.f32 v8, v14  }
0x157: {  	v19 =	vsub.f32 v5, v14;
	v15 =	vmax.f32 v15, $0.0e+00;
	v16 =	vmax.f32 v16, $0.0e+00  }
0x158: {  	v17 =	vmax.f32 v17, $0.0e+00;
	v15 =	vmin.f32 v15, $5.000000000e+02;
	v16 =	vmin.f32 v16, $5.000000000e+02  }
0x159: {  	v15 =	vadd.f32 v16, v15;
	v16 =	vmax.f32 v18, $0.0e+00;
	v18 =	vmax.f32 v19, $0.0e+00  }
0x15a: {  	v20 =	vsub.f32 v10, v14;
	v17 =	vmin.f32 v17, $5.000000000e+02;
	v19 =	vsub.f32 v9, v14  }
0x15b: {  	v15 =	vadd.f32 v15, v17;
	v17 =	vsub.f32 v11, v14  }
0x15c: {  	v20 =	vmax.f32 v20, $0.0e+00;
	v16 =	vmin.f32 v16, $5.000000000e+02;
	v19 =	vmax.f32 v19, $0.0e+00  }
0x15d: {  	v15 =	vadd.f32 v15, v16;
	v16 =	vmax.f32 v17, $0.0e+00  }
0x15e: {  	v17 =	vmin.f32 v18, $5.000000000e+02  }
0x15f: {  	v15 =	vadd.f32 v15, v17  }
0x160: {  	v17 =	vmin.f32 v19, $5.000000000e+02  }
0x161: {  	v15 =	vadd.f32 v15, v17  }
0x162: {  	v17 =	vmin.f32 v20, $5.000000000e+02  }
0x163: {  	v15 =	vadd.f32 v15, v17  }
0x164: {  	v16 =	vmin.f32 v16, $5.000000000e+02  }
0x165: {  	v15 =	vadd.f32 v15, v16;
	_ =	sdelay $0x1  }
0x166: {  	v16 =	vperm.xlane v15, v0;
	_ =	sdelay $0x1  }
0x167: {  	v15 =	vadd.f32 v15, v16;
	_ =	sdelay $0x1  }
0x168: {  	v16 =	vperm.xlane v15, v1;
	_ =	sdelay $0x1  }
0x169: {  	v15 =	vadd.f32 v15, v16;
	_ =	sdelay $0x1  }
0x16a: {  	v16 =	vperm.xlane v15, v2;
	_ =	sdelay $0x1  }
0x16b: {  	v15 =	vadd.f32 v15, v16;
	_ =	sdelay $0x1  }
0x16c: {  	v16 =	vperm.xlane v15, v3;
	_ =	sdelay $0x1  }
0x16d: {  	v15 =	vadd.f32 v15, v16  }
0x16e: {  	v16 =	vmul.f32 $2.500000000e-01, v13  }
0x16f: {  	v15 =	vsub.f32 v15, v12  }
0x170: {  	v17 =	vsub.f32 $0.0e+00, v16  }
0x171: {  	vm0 =	vle.f32 v15, $-1.000000010e-01  }
0x172: {  	vm1 =	vge.f32 v15, $1.000000010e-01;
	v15 =	vnsel vm0, $0x0, v17  }
0x173: {  	v15 =	vsel vm1, v16, v15  }
0x174: {  	v14 =	vadd.f32 v15, v14;
	_ =	sdelay $0x1  }
0x175: {  	v15 =	vsub.f32 v6, v14;
	v16 =	vsub.f32 v4, v14  }
0x176: {  	v17 =	vsub.f32 v7, v14;
	v18 =	vsub.f32 v8, v14  }
0x177: {  	v19 =	vsub.f32 v5, v14;
	v15 =	vmax.f32 v15, $0.0e+00;
	v16 =	vmax.f32 v16, $0.0e+00  }
0x178: {  	v17 =	vmax.f32 v17, $0.0e+00;
	v15 =	vmin.f32 v15, $5.000000000e+02;
	v16 =	vmin.f32 v16, $5.000000000e+02  }
0x179: {  	v15 =	vadd.f32 v16, v15;
	v16 =	vmax.f32 v18, $0.0e+00;
	v18 =	vmax.f32 v19, $0.0e+00  }
0x17a: {  	v20 =	vsub.f32 v10, v14;
	v17 =	vmin.f32 v17, $5.000000000e+02;
	v19 =	vsub.f32 v9, v14  }
0x17b: {  	v15 =	vadd.f32 v15, v17;
	v17 =	vsub.f32 v11, v14  }
0x17c: {  	v20 =	vmax.f32 v20, $0.0e+00;
	v16 =	vmin.f32 v16, $5.000000000e+02;
	v19 =	vmax.f32 v19, $0.0e+00  }
0x17d: {  	v15 =	vadd.f32 v15, v16;
	v16 =	vmax.f32 v17, $0.0e+00  }
0x17e: {  	v17 =	vmin.f32 v18, $5.000000000e+02  }
0x17f: {  	v15 =	vadd.f32 v15, v17  }
0x180: {  	v17 =	vmin.f32 v19, $5.000000000e+02  }
0x181: {  	v15 =	vadd.f32 v15, v17  }
0x182: {  	v17 =	vmin.f32 v20, $5.000000000e+02  }
0x183: {  	v15 =	vadd.f32 v15, v17  }
0x184: {  	v16 =	vmin.f32 v16, $5.000000000e+02  }
0x185: {  	v15 =	vadd.f32 v15, v16;
	_ =	sdelay $0x1  }
0x186: {  	v16 =	vperm.xlane v15, v0;
	_ =	sdelay $0x1  }
0x187: {  	v15 =	vadd.f32 v15, v16;
	_ =	sdelay $0x1  }
0x188: {  	v16 =	vperm.xlane v15, v1;
	_ =	sdelay $0x1  }
0x189: {  	v15 =	vadd.f32 v15, v16;
	_ =	sdelay $0x1  }
0x18a: {  	v16 =	vperm.xlane v15, v2;
	_ =	sdelay $0x1  }
0x18b: {  	v15 =	vadd.f32 v15, v16;
	_ =	sdelay $0x1  }
0x18c: {  	v16 =	vperm.xlane v15, v3;
	_ =	sdelay $0x1  }
0x18d: {  	v15 =	vadd.f32 v15, v16  }
0x18e: {  	v16 =	vmul.f32 $1.250000000e-01, v13  }
0x18f: {  	v15 =	vsub.f32 v15, v12  }
0x190: {  	v17 =	vsub.f32 $0.0e+00, v16  }
0x191: {  	vm0 =	vle.f32 v15, $-1.000000010e-01  }
0x192: {  	vm1 =	vge.f32 v15, $1.000000010e-01;
	v15 =	vnsel vm0, $0x0, v17  }
0x193: {  	v15 =	vsel vm1, v16, v15  }
0x194: {  	v14 =	vadd.f32 v15, v14;
	_ =	sdelay $0x1  }
0x195: {  	v15 =	vsub.f32 v6, v14;
	v16 =	vsub.f32 v4, v14  }
0x196: {  	v17 =	vsub.f32 v7, v14;
	v18 =	vsub.f32 v8, v14  }
0x197: {  	v19 =	vsub.f32 v5, v14;
	v15 =	vmax.f32 v15, $0.0e+00;
	v16 =	vmax.f32 v16, $0.0e+00  }
0x198: {  	v17 =	vmax.f32 v17, $0.0e+00;
	v15 =	vmin.f32 v15, $5.000000000e+02;
	v16 =	vmin.f32 v16, $5.000000000e+02  }
0x199: {  	v15 =	vadd.f32 v16, v15;
	v16 =	vmax.f32 v18, $0.0e+00;
	v18 =	vmax.f32 v19, $0.0e+00  }
0x19a: {  	v20 =	vsub.f32 v10, v14;
	v17 =	vmin.f32 v17, $5.000000000e+02;
	v19 =	vsub.f32 v9, v14  }
0x19b: {  	v15 =	vadd.f32 v15, v17;
	v17 =	vsub.f32 v11, v14  }
0x19c: {  	v20 =	vmax.f32 v20, $0.0e+00;
	v16 =	vmin.f32 v16, $5.000000000e+02;
	v19 =	vmax.f32 v19, $0.0e+00  }
0x19d: {  	v15 =	vadd.f32 v15, v16;
	v16 =	vmax.f32 v17, $0.0e+00  }
0x19e: {  	v17 =	vmin.f32 v18, $5.000000000e+02  }
0x19f: {  	v15 =	vadd.f32 v15, v17  }
0x1a0: {  	v17 =	vmin.f32 v19, $5.000000000e+02  }
0x1a1: {  	v15 =	vadd.f32 v15, v17  }
0x1a2: {  	v17 =	vmin.f32 v20, $5.000000000e+02  }
0x1a3: {  	v15 =	vadd.f32 v15, v17  }
0x1a4: {  	v16 =	vmin.f32 v16, $5.000000000e+02  }
0x1a5: {  	v15 =	vadd.f32 v15, v16;
	_ =	sdelay $0x1  }
0x1a6: {  	v16 =	vperm.xlane v15, v0;
	_ =	sdelay $0x1  }
0x1a7: {  	v15 =	vadd.f32 v15, v16;
	_ =	sdelay $0x1  }
0x1a8: {  	v16 =	vperm.xlane v15, v1;
	_ =	sdelay $0x1  }
0x1a9: {  	v15 =	vadd.f32 v15, v16;
	_ =	sdelay $0x1  }
0x1aa: {  	v16 =	vperm.xlane v15, v2;
	_ =	sdelay $0x1  }
0x1ab: {  	v15 =	vadd.f32 v15, v16;
	_ =	sdelay $0x1  }
0x1ac: {  	v16 =	vperm.xlane v15, v3;
	_ =	sdelay $0x1  }
0x1ad: {  	v15 =	vadd.f32 v15, v16  }
0x1ae: {  	v16 =	vmul.f32 $6.250000000e-02, v13  }
0x1af: {  	v15 =	vsub.f32 v15, v12  }
0x1b0: {  	v17 =	vsub.f32 $0.0e+00, v16  }
0x1b1: {  	vm0 =	vle.f32 v15, $-1.000000010e-01  }
0x1b2: {  	vm1 =	vge.f32 v15, $1.000000010e-01;
	v15 =	vnsel vm0, $0x0, v17  }
0x1b3: {  	v15 =	vsel vm1, v16, v15  }
0x1b4: {  	v14 =	vadd.f32 v15, v14;
	_ =	sdelay $0x1  }
0x1b5: {  	v15 =	vsub.f32 v6, v14;
	v16 =	vsub.f32 v4, v14  }
0x1b6: {  	v17 =	vsub.f32 v7, v14;
	v18 =	vsub.f32 v8, v14  }
0x1b7: {  	v19 =	vsub.f32 v5, v14;
	v15 =	vmax.f32 v15, $0.0e+00;
	v16 =	vmax.f32 v16, $0.0e+00  }
0x1b8: {  	v17 =	vmax.f32 v17, $0.0e+00;
	v15 =	vmin.f32 v15, $5.000000000e+02;
	v16 =	vmin.f32 v16, $5.000000000e+02  }
0x1b9: {  	v15 =	vadd.f32 v16, v15;
	v16 =	vmax.f32 v18, $0.0e+00;
	v18 =	vmax.f32 v19, $0.0e+00  }
0x1ba: {  	v20 =	vsub.f32 v10, v14;
	v17 =	vmin.f32 v17, $5.000000000e+02;
	v19 =	vsub.f32 v9, v14  }
0x1bb: {  	v15 =	vadd.f32 v15, v17;
	v17 =	vsub.f32 v11, v14  }
0x1bc: {  	v20 =	vmax.f32 v20, $0.0e+00;
	v16 =	vmin.f32 v16, $5.000000000e+02;
	v19 =	vmax.f32 v19, $0.0e+00  }
0x1bd: {  	v15 =	vadd.f32 v15, v16;
	v16 =	vmax.f32 v17, $0.0e+00  }
0x1be: {  	v17 =	vmin.f32 v18, $5.000000000e+02  }
0x1bf: {  	v15 =	vadd.f32 v15, v17  }
0x1c0: {  	v17 =	vmin.f32 v19, $5.000000000e+02  }
0x1c1: {  	v15 =	vadd.f32 v15, v17  }
0x1c2: {  	v17 =	vmin.f32 v20, $5.000000000e+02  }
0x1c3: {  	v15 =	vadd.f32 v15, v17  }
0x1c4: {  	v16 =	vmin.f32 v16, $5.000000000e+02  }
0x1c5: {  	v15 =	vadd.f32 v15, v16;
	_ =	sdelay $0x1  }
0x1c6: {  	v16 =	vperm.xlane v15, v0;
	_ =	sdelay $0x1  }
0x1c7: {  	v15 =	vadd.f32 v15, v16;
	_ =	sdelay $0x1  }
0x1c8: {  	v16 =	vperm.xlane v15, v1;
	_ =	sdelay $0x1  }
0x1c9: {  	v15 =	vadd.f32 v15, v16;
	_ =	sdelay $0x1  }
0x1ca: {  	v16 =	vperm.xlane v15, v2;
	_ =	sdelay $0x1  }
0x1cb: {  	v15 =	vadd.f32 v15, v16;
	_ =	sdelay $0x1  }
0x1cc: {  	v16 =	vperm.xlane v15, v3;
	_ =	sdelay $0x1  }
0x1cd: {  	v15 =	vadd.f32 v15, v16  }
0x1ce: {  	v13 =	vmul.f32 $3.125000000e-02, v13  }
0x1cf: {  	v12 =	vsub.f32 v15, v12  }
0x1d0: {  	v15 =	vsub.f32 $0.0e+00, v13  }
0x1d1: {  	vm0 =	vle.f32 v12, $-1.000000010e-01  }
0x1d2: {  	vm1 =	vge.f32 v12, $1.000000010e-01;
	v12 =	vnsel vm0, $0x0, v15  }
0x1d3: {  	v12 =	vsel vm1, v13, v12  }
0x1d4: {  	v12 =	vadd.f32 v12, v14  }
.Ltmp6:
0x1d5: {  	(pc) =	sbr.rel @!p0 .LBB2_4-.Ltmp6, $4  }
0x1d6: {  	v6 =	vsub.f32 v6, v12;
	v13 =	vsub.f32 v11, v12  }
0x1d7: {  	v14 =	vsub.f32 v7, v12;
	v11 =	vsub.f32 v8, v12  }
0x1d8: {  	v8 =	vmax.f32 v6, $0.0e+00;
	v6 =	vsub.f32 v10, v12;
	v7 =	vmax.f32 v13, $0.0e+00  }
0x1d9: {  	v13 =	vmax.f32 v14, $0.0e+00;
	v10 =	vmin.f32 v8, $5.000000000e+02;
	v8 =	vsub.f32 v9, v12  }
.Ltmp7:
0x1da: {  	_ = 	snop;
	(pc) =	sbr.rel .LBB2_5-.Ltmp7, $1  }
0x1db: {  	_ =	sdelay $0x3  }
.LBB2_6:
0x1dc: {  	s20 =	simm.s32 $0x0  }
0x1dd: {  	v6 =	vld [tilespmem:s20+$0x0]  }
0x1de: {  	v8 =	vld [tilespmem:s20+$0x10]  }
0x1df: {  	v7 =	vld [tilespmem:s20+$0x20]  }
0x1e0: {  	v5 =	vld [tilespmem:s20+$0x30]  }
0x1e1: {  	v4 =	vld [tilespmem:s20+$0x40]  }
0x1e2: {  	v9 =	vmax.f32 v6, $0.0e+00;
	v6 =	vld [tilespmem:s20+$0x50]  }
0x1e3: {  	s21 =	simm.s32 $0x200;
	[tilespmem:s20+$0x0] =	vst v9;
	v9 =	vmax.f32 v8, $0.0e+00;
	v8 =	vld [tilespmem:s20+$0x60]  }
.LBB2_7:
0x1e4: {  	s22 =	sshra.s32 s21, $0x2;
	p0 =	sne.s32 s21, $0xFE00;
	[tilespmem:s20+$0x10] =	vst v9;
	v7 =	vmax.f32 v7, $0.0e+00;
	v9 =	vld [tilespmem:s20+$0x70]  }
0x1e5: {  	v10 =	vld [tilespmem:s22+$0x0];
	[tilespmem:s20+$0x20] =	vst v7;
	v5 =	vmax.f32 v5, $0.0e+00  }
0x1e6: {  	v11 =	vld [tilespmem:s22+$0x10];
	[tilespmem:s20+$0x30] =	vst v5;
	v4 =	vmax.f32 v4, $0.0e+00  }
.Ltmp8:
0x1e7: {  	v7 =	vld [tilespmem:s22+$0x20];
	[tilespmem:s20+$0x40] =	vst v4;
	v4 =	vmax.f32 v6, $0.0e+00;
	(pc) =	sbr.rel @p0 .LBB2_7-.Ltmp8, $4  }
0x1e8: {  	v5 =	vld [tilespmem:s22+$0x30];
	[tilespmem:s20+$0x50] =	vst v4;
	v6 =	vmax.f32 v8, $0.0e+00  }
0x1e9: {  	v4 =	vld [tilespmem:s22+$0x40];
	[tilespmem:s20+$0x60] =	vst v6;
	v8 =	vmax.f32 v9, $0.0e+00  }
0x1ea: {  	v9 =	vmax.f32 v10, $0.0e+00;
	v6 =	vld [tilespmem:s22+$0x50];
	[tilespmem:s20+$0x70] =	vst v8;
	s20 =	smov.u32 s22  }
0x1eb: {  	s21 =	sadd.s32 $0x200, s21;
	[tilespmem:s20+$0x0] =	vst v9;
	v9 =	vmax.f32 v11, $0.0e+00;
	v8 =	vld [tilespmem:s20+$0x60]  }
0x1ec: {  	[tilespmem:s20+$0x10] =	vst v9;
	v7 =	vmax.f32 v7, $0.0e+00;
	v63 =	vld [tilespmem:s20+$0x70]  }
0x1ed: {  	[tilespmem:s20+$0x20] =	vst v7;
	v5 =	vmax.f32 v5, $0.0e+00  }
.Ltmp9:
0x1ee: {  	[tilespmem:s20+$0x30] =	vst v5;
	v4 =	vmax.f32 v4, $0.0e+00;
	(pc) =	sbr.rel .LBB2_9-.Ltmp9, $4  }
0x1ef: {  	[tilespmem:s20+$0x40] =	vst v4;
	v4 =	vmax.f32 v6, $0.0e+00  }
0x1f0: {  	[tilespmem:s20+$0x50] =	vst v4;
	v4 =	vmax.f32 v8, $0.0e+00  }
0x1f1: {  	[tilespmem:s20+$0x60] =	vst v4;
	v4 =	vmax.f32 v63, $0.0e+00  }
0x1f2: {  	[tilespmem:s20+$0x70] =	vst v4;
	s20 =	simm.s32 $0x2  }
.LBB2_11:
0x1f3: {  	_ =	sfence.sel $0x180000  }
0x1f4: {  	[bflag:$0x0] =	sbarrier.arrive $0xFFFF  }
0x1f5: {  	p0 =	sne.s32 s5, $0x0;
	_ =	strace $0x90000047  }
0x1f6: {  	s0 =	sadd.s32 @!p0 $0x100000, s3;
	[bflag:$0x2] =	sbarrier.arrive $0xFFFF  }
0x1f7: {  	[sflag:s0] =	ssyncadd.tile.s32 @!p0 $0x1;
	_ =	shalt  }
.Lfunc_end2:
_tile_overlayer_lowered:
.L_overlay_start_2:
0x1f8: {  	(tag) =	ssettag $0x2  }
0x1f9: {  	s0 =	rddreg [dreg:$0x0];
	s2 =	stileid.u32  }
0x1fa: {  	s1 =	rddreg [dreg:$0x1];
	p0 =	sne.s32 s2, $0x0  }
0x1fb: {  	s3 =	rddreg [dreg:$0x2];
	[bflag:$0x3] =	sbarrier.arrive $0xFFFF;
	s2 =	simm.s32 @!p0 $0x1C01  }
0x1fc: {  	[timem:s3], [sflag:s2] =	dma.local @!p0 [hbm:s0], s1  }
0x1fd: {  	s0 =	simm.s32 @!p0 $0x1  }
0x1fe: {  	_ =	swait.ge @!p0 [sflag:s0], s1  }
0x1ff: {  	s1 =	ssub.s32 @!p0 $0x0, s1;
	[sflag:s0] =	ssyncset.done @!p0 $0x0  }
0x200: {  	[sflag:s0] =	ssyncadd.s32 @!p0 s1  }
0x201: {  	[bflag:$0x3] =	sbarrier.arrive $0xFFFF  }
0x202: {  	_ =	shalt  }

</sc_bundles>
